<compile_context>
chip_gen: v7x
topology: tpu7x:2x2x1
jax: 0.10.2.dev20260603
libtpu: 0.0.44.dev20260713+nightly
codegen_flags: <defaults>
</compile_context>

<pallas_src>
import functools

import numpy as np
import jax
import jax.numpy as jnp
from jax import lax
from jax.experimental import pallas as pl
from jax.experimental.pallas import tpu as pltpu
from jax.experimental.pallas import tpu_sc as plsc

D_MODEL = 64
SEQ_LEN = 200
NUM_CORES = 2
NUM_SUBCORES = 16
NUM_WORKERS = NUM_CORES * NUM_SUBCORES
LANES = 16
BL = 128
SR = 8
SG = SEQ_LEN // SR
NBUF = 4
LA = 2


def _positional_encoding(length, dim):
    half = dim // 2
    posn = np.arange(length).reshape(length, 1).astype(np.float32)
    dims = np.arange(half).reshape(1, half).astype(np.float32) / half
    enc = posn / (10000.0 ** dims)
    enc = np.concatenate([np.sin(enc), np.cos(enc)], axis=-1)
    return jnp.asarray(enc, dtype=jnp.float32)


_PE = _positional_encoding(SEQ_LEN, D_MODEL)

VROWS = 1000000
NBLK = VROWS // 128
BLK_PER_W = -(-NBLK // NUM_WORKERS)


@functools.lru_cache(maxsize=None)
def _depad_build():
    mesh = plsc.VectorSubcoreMesh(core_axis_name="c", subcore_axis_name="s")

    @functools.partial(
        pl.kernel,
        out_type=jax.ShapeDtypeStruct((VROWS // 2, 128), jnp.float32),
        mesh=mesh,
        scratch_types=[pltpu.VMEM((64, 128), jnp.float32) for _ in range(4)]
        + [pltpu.VMEM((32, 128), jnp.float32)]
        + [pltpu.SemaphoreType.DMA for _ in range(4)],
        compiler_params=pltpu.CompilerParams(
            use_tc_tiling_on_sc=True, needs_layout_passes=False
        ),
    )
    def body(tt_hbm, tail_hbm, out_hbm, s0, s1, d0, d1, tl, gi0, gi1, go0, go1):
        srcs = [s0, s1]
        dsts = [d0, d1]
        gin = [gi0, gi1]
        gout = [go0, go1]
        wid = lax.axis_index("s") * NUM_CORES + lax.axis_index("c")
        n_k = BLK_PER_W

        def blk(k):
            return wid + k * NUM_WORKERS

        def in_start(k, b):
            pltpu.async_copy(
                tt_hbm.at[:, pl.ds(blk(k) * 128, 128)], srcs[b], gin[b]
            )

        def in_wait(k, b):
            pltpu.make_async_copy(
                tt_hbm.at[:, pl.ds(blk(k) * 128, 128)], srcs[b], gin[b]
            ).wait()

        def out_start(k, b):
            pltpu.async_copy(
                dsts[b], out_hbm.at[pl.ds(blk(k) * 64, 64)], gout[b]
            )

        def out_wait(k, b):
            pltpu.make_async_copy(
                dsts[b], out_hbm.at[pl.ds(blk(k) * 64, 64)], gout[b]
            ).wait()

        ii = lax.iota(jnp.int32, 16)
        row_vecs = []
        colb_vecs = []
        for vg in range(128 // LANES):
            v16 = ii + vg * LANES
            row_vecs.append(v16 >> 1)
            colb_vecs.append((v16 & 1) * D_MODEL)

        def transpose(b):
            @plsc.parallel_loop(0, D_MODEL, step=1, unroll=4)
            def d_body(d):
                for vg in range(128 // LANES):
                    x = srcs[b][d, pl.ds(vg * LANES, LANES)]
                    plsc.store_scatter(
                        dsts[b], [row_vecs[vg], colb_vecs[vg] + d], x
                    )

        in_start(0, 0)
        in_start(1, 1)
        in_wait(0, 0)
        transpose(0)
        out_start(0, 0)

        def kk_body(kk, carry):
            for b, off in ((1, 1), (0, 2)):
                k = 2 * kk + off
                in_start(k + 1, 1 - b)
                in_wait(k, b)

                @pl.when(k >= 2)
                def _():
                    out_wait(k - 2, b)

                transpose(b)
                out_start(k, b)
            return carry

        lax.fori_loop(0, (n_k - 2) // 2, kk_body, 0, unroll=False)

        has_extra = wid < NBLK - (n_k - 1) * NUM_WORKERS

        @pl.when(has_extra)
        def _():
            in_start(n_k - 1, 0)

        in_wait(n_k - 2, 1)
        out_wait(n_k - 4, 1)
        transpose(1)
        out_start(n_k - 2, 1)

        @pl.when(has_extra)
        def _():
            in_wait(n_k - 1, 0)
            out_wait(n_k - 3, 0)
            transpose(0)
            out_start(n_k - 1, 0)

        out_wait(n_k - 2, 1)

        @pl.when(has_extra)
        def _():
            out_wait(n_k - 1, 0)

        @pl.when(jnp.logical_not(has_extra))
        def _():
            out_wait(n_k - 3, 0)

        @pl.when(wid == 0)
        def _():
            pltpu.sync_copy(tail_hbm, tl)
            pltpu.sync_copy(tl, out_hbm.at[pl.ds(VROWS // 2 - 32, 32)])

    return body


@functools.lru_cache(maxsize=None)
def _build(batch):
    n_blocks = batch // BL
    assert n_blocks == NUM_WORKERS
    mesh = plsc.VectorSubcoreMesh(core_axis_name="c", subcore_axis_name="s")

    @functools.partial(
        pl.kernel,
        out_type=jax.ShapeDtypeStruct(
            (SEQ_LEN, D_MODEL // 8, n_blocks, 8, BL), jnp.float32
        ),
        mesh=mesh,
        scratch_types=[
            pltpu.VMEM((SG, SR, BL), jnp.int32),
            pltpu.VMEM((SEQ_LEN, D_MODEL), jnp.float32),
        ]
        + [pltpu.VMEM((BL, D_MODEL), jnp.float32) for _ in range(NBUF)]
        + [pltpu.VMEM((D_MODEL // 8, 8, BL + 1), jnp.float32) for _ in range(NBUF)]
        + [pltpu.SemaphoreType.DMA for _ in range(2 * NBUF)],
        compiler_params=pltpu.CompilerParams(
            use_tc_tiling_on_sc=False, needs_layout_passes=False
        ),
    )
    def body(ids_hbm, table_hbm, pe_hbm, out_hbm, idx_v, pe_v, *bufs_and_sems):
        rows = list(bufs_and_sems[:NBUF])
        tiles = list(bufs_and_sems[NBUF : 2 * NBUF])
        sem_g = list(bufs_and_sems[2 * NBUF : 3 * NBUF])
        sem_w = list(bufs_and_sems[3 * NBUF : 4 * NBUF])

        wid = lax.axis_index("s") * NUM_CORES + lax.axis_index("c")
        pltpu.sync_copy(pe_hbm, pe_v)
        pltpu.sync_copy(ids_hbm.at[:, wid], idx_v)

        ii = lax.iota(jnp.int32, 16)
        dg_idx = []
        dr_idx = []
        for dgg in range(D_MODEL // LANES):
            d16 = ii + dgg * LANES
            dg_idx.append(d16 >> 3)
            dr_idx.append(d16 & 7)

        def gather_start(sg, sr, b):
            pltpu.async_copy(table_hbm.at[idx_v.at[sg, sr]], rows[b], sem_g[b])

        def gather_wait(sg, sr, b):
            pltpu.make_async_copy(
                table_hbm.at[idx_v.at[sg, sr]], rows[b], sem_g[b]
            ).wait()

        def wb_start(step, b):
            pltpu.async_copy(
                tiles[b].at[:, :, pl.ds(0, BL)], out_hbm.at[step, :, wid], sem_w[b]
            )

        def wb_wait(step, b):
            pltpu.make_async_copy(
                tiles[b].at[:, :, pl.ds(0, BL)], out_hbm.at[step, :, wid], sem_w[b]
            ).wait()

        def compute(step, b):
            pe_regs = [
                pe_v[step, pl.ds(dgg * LANES, LANES)]
                for dgg in range(D_MODEL // LANES)
            ]

            @plsc.parallel_loop(0, BL, step=1, unroll=8)
            def bl_body(bl):
                bl_vec = jnp.full((16,), 0, jnp.int32) + bl
                for dgg in range(D_MODEL // LANES):
                    v = rows[b][bl, pl.ds(dgg * LANES, LANES)] * 9.0 + pe_regs[dgg]
                    plsc.store_scatter(
                        tiles[b], [dg_idx[dgg], dr_idx[dgg], bl_vec], v
                    )

        def do_step(sg, sr, first_sg=False, last_sg=False):
            step = sg * SR + sr
            b = sr % NBUF
            b2 = (sr + LA) % NBUF
            sr2 = (sr + LA) % SR
            gather_wait(sg, sr, b)
            compute(step, b)
            wb_start(step, b)
            if not (last_sg and sr + LA >= SR):
                if not (first_sg and sr < LA):
                    wb_wait(step - LA, b2)
                sg2 = sg + (1 if sr + LA >= SR else 0)
                gather_start(sg2, sr2, b2)

        for step in range(LA):
            gather_start(0, step, step % NBUF)

        for sr in range(SR):
            do_step(0, sr, first_sg=True)

        def sg_body(sg, carry):
            for sr in range(SR):
                do_step(sg, sr)
            return carry

        lax.fori_loop(1, SG - 1, sg_body, 0, unroll=False)

        for sr in range(SR):
            do_step(SG - 1, sr, last_sg=True)
        for sr in range(SR - LA, SR):
            step = (SG - 1) * SR + sr
            wb_wait(step, sr % NBUF)

    return body


@jax.jit
def kernel(input_ids, table):
    batch, seq = input_ids.shape
    ids4 = jnp.transpose(
        input_ids.reshape(batch // BL, BL, seq // SR, SR), (2, 0, 3, 1)
    )
    tail = table[NBLK * 128 :].reshape(32, 128)
    dense = _depad_build()(table.T, tail)
    table_dense = dense.reshape(VROWS, D_MODEL)
    out = table_dense[: batch * seq * D_MODEL // 64].reshape(
        batch, seq, D_MODEL
    )
    return out

# --- scband reference (transcript-rebuilt; emitter-appended) ---
"""Pipeline reference for scband-positional-embedding-73538430042341 (READ-ONLY COPY).

The authoritative reference and input builder live on the scoring server;
editing this copy changes nothing except your own understanding.
"""

import jax, jax.numpy as jnp
import numpy as np

VOCAB = 1000000
D_MODEL = 64
SEQ_LEN = 200
BATCH = 4096

def PE(length, dim):
    dim = dim / 2
    posn = np.arange(length).reshape(length, 1).astype(np.float32)
    dims = np.arange(dim).reshape(1, int(dim)).astype(np.float32) / dim
    posn_encoding = posn / (10000.0 ** dims)
    posn_encoding = np.concatenate([np.sin(posn_encoding), np.cos(posn_encoding)], axis=-1)
    return jnp.asarray(posn_encoding, dtype=jnp.float32)


def setup_inputs(seed: int = 0) -> dict:
    key = jax.random.key(seed)
    k1, k2 = jax.random.split(key)
    input_ids = jax.random.randint(k1, (BATCH, SEQ_LEN), 0, VOCAB, dtype=jnp.int32)
    # Embedding table parameter (keras Embedding default: uniform init)
    table = jax.random.uniform(k2, (VOCAB, D_MODEL), dtype=jnp.float32, minval=-0.05, maxval=0.05)
    return {"input_ids": input_ids, "table": table}


def reference(input_ids, table):
    length = input_ids.shape[1]
    pos_encoding = PE(SEQ_LEN, D_MODEL)
    # x = self.embedding(input_ids)  -> gather
    x = jnp.take(table, input_ids, axis=0)
    # encodings = x + self.pos_encoding[tf.newaxis, :length, :]
    encodings = x + pos_encoding[jnp.newaxis, :length, :]
    # x *= sqrt(d_model)
    x = x * jnp.sqrt(jnp.asarray(D_MODEL, dtype=jnp.float32))
    # x += encodings
    x = x + encodings
    return x

if __name__ == "__main__":
    import jax
    _d = setup_inputs()
    print(jax.jit(kernel)(*tuple(_d.values())))

</pallas_src>

<mosaic_0001>
#map = affine_map<(d0, d1) -> (0, 0)>
module attributes {stable_mosaic.version = 14 : i64} {
  func.func @body(%arg0: i32, %arg1: i32, %arg2: memref<64x1000000xf32, #tpu.memory_space<hbm>>, %arg3: memref<32x128xf32, #tpu.memory_space<hbm>>, %arg4: memref<500000x128xf32, #tpu.memory_space<hbm>>, %arg5: memref<64x128xf32, #tpu.memory_space<vmem>>, %arg6: memref<64x128xf32, #tpu.memory_space<vmem>>, %arg7: memref<64x128xf32, #tpu.memory_space<vmem>>, %arg8: memref<64x128xf32, #tpu.memory_space<vmem>>, %arg9: memref<32x128xf32, #tpu.memory_space<vmem>>, %arg10: memref<!tpu.dma_semaphore, #tpu.memory_space<semaphore_mem>>, %arg11: memref<!tpu.dma_semaphore, #tpu.memory_space<semaphore_mem>>, %arg12: memref<!tpu.dma_semaphore, #tpu.memory_space<semaphore_mem>>, %arg13: memref<!tpu.dma_semaphore, #tpu.memory_space<semaphore_mem>>) attributes {dimension_semantics = [#tpu.dimension_semantics<core_parallel>, #tpu.dimension_semantics<subcore_parallel>], iteration_bounds = array<i64: 2, 16>, scalar_prefetch = 0 : i64, scratch_operands = 9 : i64, tpu.core_type = #tpu.core_type<sc_vector_subcore>, window_params = [{transform_indices = #map}, {transform_indices = #map}, {transform_indices = #map}]} {
    %mul3A = arith.constant 2 : i32
    %mul3A_0 = arith.muli %arg1, %mul3A : i32
    %add3A = arith.addi %mul3A_0, %arg0 : i32
    %iota3A = tpu.iota {dimensions = array<i32: 0>} : vector<16xi32>
    %add3A_1 = arith.constant 0 : i32
    %add3A_2 = vector.broadcast %add3A_1 : i32 to vector<16xi32>
    %add3A_3 = arith.addi %iota3A, %add3A_2 : vector<16xi32>
    %shift_right_arithmetic3A = arith.constant 1 : i32
    %shift_right_arithmetic3A_4 = vector.broadcast %shift_right_arithmetic3A : i32 to vector<16xi32>
    %shift_right_arithmetic3A_5 = arith.shrsi %add3A_3, %shift_right_arithmetic3A_4 : vector<16xi32>
    %and3A = arith.constant 1 : i32
    %and3A_6 = vector.broadcast %and3A : i32 to vector<16xi32>
    %and3A_7 = arith.andi %add3A_3, %and3A_6 : vector<16xi32>
    %mul3A_8 = arith.constant 64 : i32
    %mul3A_9 = vector.broadcast %mul3A_8 : i32 to vector<16xi32>
    %mul3A_10 = arith.muli %and3A_7, %mul3A_9 : vector<16xi32>
    %add3A_11 = arith.constant 16 : i32
    %add3A_12 = vector.broadcast %add3A_11 : i32 to vector<16xi32>
    %add3A_13 = arith.addi %iota3A, %add3A_12 : vector<16xi32>
    %shift_right_arithmetic3A_14 = arith.constant 1 : i32
    %shift_right_arithmetic3A_15 = vector.broadcast %shift_right_arithmetic3A_14 : i32 to vector<16xi32>
    %shift_right_arithmetic3A_16 = arith.shrsi %add3A_13, %shift_right_arithmetic3A_15 : vector<16xi32>
    %and3A_17 = arith.constant 1 : i32
    %and3A_18 = vector.broadcast %and3A_17 : i32 to vector<16xi32>
    %and3A_19 = arith.andi %add3A_13, %and3A_18 : vector<16xi32>
    %mul3A_20 = arith.constant 64 : i32
    %mul3A_21 = vector.broadcast %mul3A_20 : i32 to vector<16xi32>
    %mul3A_22 = arith.muli %and3A_19, %mul3A_21 : vector<16xi32>
    %add3A_23 = arith.constant 32 : i32
    %add3A_24 = vector.broadcast %add3A_23 : i32 to vector<16xi32>
    %add3A_25 = arith.addi %iota3A, %add3A_24 : vector<16xi32>
    %shift_right_arithmetic3A_26 = arith.constant 1 : i32
    %shift_right_arithmetic3A_27 = vector.broadcast %shift_right_arithmetic3A_26 : i32 to vector<16xi32>
    %shift_right_arithmetic3A_28 = arith.shrsi %add3A_25, %shift_right_arithmetic3A_27 : vector<16xi32>
    %and3A_29 = arith.constant 1 : i32
    %and3A_30 = vector.broadcast %and3A_29 : i32 to vector<16xi32>
    %and3A_31 = arith.andi %add3A_25, %and3A_30 : vector<16xi32>
    %mul3A_32 = arith.constant 64 : i32
    %mul3A_33 = vector.broadcast %mul3A_32 : i32 to vector<16xi32>
    %mul3A_34 = arith.muli %and3A_31, %mul3A_33 : vector<16xi32>
    %add3A_35 = arith.constant 48 : i32
    %add3A_36 = vector.broadcast %add3A_35 : i32 to vector<16xi32>
    %add3A_37 = arith.addi %iota3A, %add3A_36 : vector<16xi32>
    %shift_right_arithmetic3A_38 = arith.constant 1 : i32
    %shift_right_arithmetic3A_39 = vector.broadcast %shift_right_arithmetic3A_38 : i32 to vector<16xi32>
    %shift_right_arithmetic3A_40 = arith.shrsi %add3A_37, %shift_right_arithmetic3A_39 : vector<16xi32>
    %and3A_41 = arith.constant 1 : i32
    %and3A_42 = vector.broadcast %and3A_41 : i32 to vector<16xi32>
    %and3A_43 = arith.andi %add3A_37, %and3A_42 : vector<16xi32>
    %mul3A_44 = arith.constant 64 : i32
    %mul3A_45 = vector.broadcast %mul3A_44 : i32 to vector<16xi32>
    %mul3A_46 = arith.muli %and3A_43, %mul3A_45 : vector<16xi32>
    %add3A_47 = arith.constant 64 : i32
    %add3A_48 = vector.broadcast %add3A_47 : i32 to vector<16xi32>
    %add3A_49 = arith.addi %iota3A, %add3A_48 : vector<16xi32>
    %shift_right_arithmetic3A_50 = arith.constant 1 : i32
    %shift_right_arithmetic3A_51 = vector.broadcast %shift_right_arithmetic3A_50 : i32 to vector<16xi32>
    %shift_right_arithmetic3A_52 = arith.shrsi %add3A_49, %shift_right_arithmetic3A_51 : vector<16xi32>
    %and3A_53 = arith.constant 1 : i32
    %and3A_54 = vector.broadcast %and3A_53 : i32 to vector<16xi32>
    %and3A_55 = arith.andi %add3A_49, %and3A_54 : vector<16xi32>
    %mul3A_56 = arith.constant 64 : i32
    %mul3A_57 = vector.broadcast %mul3A_56 : i32 to vector<16xi32>
    %mul3A_58 = arith.muli %and3A_55, %mul3A_57 : vector<16xi32>
    %add3A_59 = arith.constant 80 : i32
    %add3A_60 = vector.broadcast %add3A_59 : i32 to vector<16xi32>
    %add3A_61 = arith.addi %iota3A, %add3A_60 : vector<16xi32>
    %shift_right_arithmetic3A_62 = arith.constant 1 : i32
    %shift_right_arithmetic3A_63 = vector.broadcast %shift_right_arithmetic3A_62 : i32 to vector<16xi32>
    %shift_right_arithmetic3A_64 = arith.shrsi %add3A_61, %shift_right_arithmetic3A_63 : vector<16xi32>
    %and3A_65 = arith.constant 1 : i32
    %and3A_66 = vector.broadcast %and3A_65 : i32 to vector<16xi32>
    %and3A_67 = arith.andi %add3A_61, %and3A_66 : vector<16xi32>
    %mul3A_68 = arith.constant 64 : i32
    %mul3A_69 = vector.broadcast %mul3A_68 : i32 to vector<16xi32>
    %mul3A_70 = arith.muli %and3A_67, %mul3A_69 : vector<16xi32>
    %add3A_71 = arith.constant 96 : i32
    %add3A_72 = vector.broadcast %add3A_71 : i32 to vector<16xi32>
    %add3A_73 = arith.addi %iota3A, %add3A_72 : vector<16xi32>
    %shift_right_arithmetic3A_74 = arith.constant 1 : i32
    %shift_right_arithmetic3A_75 = vector.broadcast %shift_right_arithmetic3A_74 : i32 to vector<16xi32>
    %shift_right_arithmetic3A_76 = arith.shrsi %add3A_73, %shift_right_arithmetic3A_75 : vector<16xi32>
    %and3A_77 = arith.constant 1 : i32
    %and3A_78 = vector.broadcast %and3A_77 : i32 to vector<16xi32>
    %and3A_79 = arith.andi %add3A_73, %and3A_78 : vector<16xi32>
    %mul3A_80 = arith.constant 64 : i32
    %mul3A_81 = vector.broadcast %mul3A_80 : i32 to vector<16xi32>
    %mul3A_82 = arith.muli %and3A_79, %mul3A_81 : vector<16xi32>
    %add3A_83 = arith.constant 112 : i32
    %add3A_84 = vector.broadcast %add3A_83 : i32 to vector<16xi32>
    %add3A_85 = arith.addi %iota3A, %add3A_84 : vector<16xi32>
    %shift_right_arithmetic3A_86 = arith.constant 1 : i32
    %shift_right_arithmetic3A_87 = vector.broadcast %shift_right_arithmetic3A_86 : i32 to vector<16xi32>
    %shift_right_arithmetic3A_88 = arith.shrsi %add3A_85, %shift_right_arithmetic3A_87 : vector<16xi32>
    %and3A_89 = arith.constant 1 : i32
    %and3A_90 = vector.broadcast %and3A_89 : i32 to vector<16xi32>
    %and3A_91 = arith.andi %add3A_85, %and3A_90 : vector<16xi32>
    %mul3A_92 = arith.constant 64 : i32
    %mul3A_93 = vector.broadcast %mul3A_92 : i32 to vector<16xi32>
    %mul3A_94 = arith.muli %and3A_91, %mul3A_93 : vector<16xi32>
    %add3A_95 = arith.constant 0 : i32
    %add3A_96 = arith.addi %add3A, %add3A_95 : i32
    %mul3A_97 = arith.constant 128 : i32
    %mul3A_98 = arith.muli %add3A_96, %mul3A_97 : i32
    %dma_start3A = arith.constant 0 : i32
    %dma_start3A_99 = tpu.memref_slice %arg2[%dma_start3A, %mul3A_98] : memref<64x1000000xf32, #tpu.memory_space<hbm>> -> memref<64x128xf32, #tpu.memory_space<hbm>>
    %dma_start3A_100 = arith.constant 0 : i32
    %dma_start3A_101 = tpu.memref_slice %arg2[%dma_start3A_100, %mul3A_98] : memref<64x1000000xf32, #tpu.memory_space<hbm>> -> memref<64x128xf32, #tpu.memory_space<hbm>>
    tpu.enqueue_dma source(%dma_start3A_101 : memref<64x128xf32, #tpu.memory_space<hbm>>) target(%arg5 : memref<64x128xf32, #tpu.memory_space<vmem>>) target_semaphore(%arg10 : memref<!tpu.dma_semaphore, #tpu.memory_space<semaphore_mem>>)
    %add3A_102 = arith.constant 32 : i32
    %add3A_103 = arith.addi %add3A, %add3A_102 : i32
    %mul3A_104 = arith.constant 128 : i32
    %mul3A_105 = arith.muli %add3A_103, %mul3A_104 : i32
    %dma_start3A_106 = arith.constant 0 : i32
    %dma_start3A_107 = tpu.memref_slice %arg2[%dma_start3A_106, %mul3A_105] : memref<64x1000000xf32, #tpu.memory_space<hbm>> -> memref<64x128xf32, #tpu.memory_space<hbm>>
    %dma_start3A_108 = arith.constant 0 : i32
    %dma_start3A_109 = tpu.memref_slice %arg2[%dma_start3A_108, %mul3A_105] : memref<64x1000000xf32, #tpu.memory_space<hbm>> -> memref<64x128xf32, #tpu.memory_space<hbm>>
    tpu.enqueue_dma source(%dma_start3A_109 : memref<64x128xf32, #tpu.memory_space<hbm>>) target(%arg6 : memref<64x128xf32, #tpu.memory_space<vmem>>) target_semaphore(%arg11 : memref<!tpu.dma_semaphore, #tpu.memory_space<semaphore_mem>>)
    %add3A_110 = arith.constant 0 : i32
    %add3A_111 = arith.addi %add3A, %add3A_110 : i32
    %mul3A_112 = arith.constant 128 : i32
    %mul3A_113 = arith.muli %add3A_111, %mul3A_112 : i32
    %dma_wait3A = arith.constant 0 : i32
    %dma_wait3A_114 = tpu.memref_slice %arg2[%dma_wait3A, %mul3A_113] : memref<64x1000000xf32, #tpu.memory_space<hbm>> -> memref<64x128xf32, #tpu.memory_space<hbm>>
    %dma_wait3A_115 = arith.constant 0 : i32
    %dma_wait3A_116 = tpu.memref_slice %arg2[%dma_wait3A_115, %mul3A_113] : memref<64x1000000xf32, #tpu.memory_space<hbm>> -> memref<64x128xf32, #tpu.memory_space<hbm>>
    tpu.wait_dma2 semaphore(%arg10 : memref<!tpu.dma_semaphore, #tpu.memory_space<semaphore_mem>>) src(%dma_wait3A_116 : memref<64x128xf32, #tpu.memory_space<hbm>>) dst(%arg5 : memref<64x128xf32, #tpu.memory_space<vmem>>)
    %parallel_loop3A = arith.constant 0 : i32
    %parallel_loop3A_117 = arith.constant 64 : i32
    %parallel_loop3A_118 = arith.constant 1 : i32
    scf.for %parallel_loop3A_183 = %parallel_loop3A to %parallel_loop3A_117 step %parallel_loop3A_118  : i32 {
      %parallel_loop3A_184 = arith.index_cast %parallel_loop3A_183 : i32 to index
      %parallel_loop3A_185 = arith.constant 0 : index
      %parallel_loop3A_186 = tpu.vector_load %arg5[%parallel_loop3A_184, %parallel_loop3A_185] {strides = array<i32>} : memref<64x128xf32, #tpu.memory_space<vmem>>, vector<16xf32>,
      %parallel_loop3A_187 = vector.broadcast %parallel_loop3A_183 : i32 to vector<16xi32>
      %parallel_loop3A_188 = arith.addi %mul3A_10, %parallel_loop3A_187 : vector<16xi32>
      tpu.vector_store_idx %arg7[%shift_right_arithmetic3A_5, %parallel_loop3A_188], %parallel_loop3A_186 : memref<64x128xf32, #tpu.memory_space<vmem>>[vector<16xi32>, vector<16xi32>], vector<16xf32>,
      %parallel_loop3A_189 = arith.index_cast %parallel_loop3A_183 : i32 to index
      %parallel_loop3A_190 = arith.constant 16 : index
      %parallel_loop3A_191 = tpu.vector_load %arg5[%parallel_loop3A_189, %parallel_loop3A_190] {strides = array<i32>} : memref<64x128xf32, #tpu.memory_space<vmem>>, vector<16xf32>,
      %parallel_loop3A_192 = vector.broadcast %parallel_loop3A_183 : i32 to vector<16xi32>
      %parallel_loop3A_193 = arith.addi %mul3A_22, %parallel_loop3A_192 : vector<16xi32>
      tpu.vector_store_idx %arg7[%shift_right_arithmetic3A_16, %parallel_loop3A_193], %parallel_loop3A_191 : memref<64x128xf32, #tpu.memory_space<vmem>>[vector<16xi32>, vector<16xi32>], vector<16xf32>,
      %parallel_loop3A_194 = arith.index_cast %parallel_loop3A_183 : i32 to index
      %parallel_loop3A_195 = arith.constant 32 : index
      %parallel_loop3A_196 = tpu.vector_load %arg5[%parallel_loop3A_194, %parallel_loop3A_195] {strides = array<i32>} : memref<64x128xf32, #tpu.memory_space<vmem>>, vector<16xf32>,
      %parallel_loop3A_197 = vector.broadcast %parallel_loop3A_183 : i32 to vector<16xi32>
      %parallel_loop3A_198 = arith.addi %mul3A_34, %parallel_loop3A_197 : vector<16xi32>
      tpu.vector_store_idx %arg7[%shift_right_arithmetic3A_28, %parallel_loop3A_198], %parallel_loop3A_196 : memref<64x128xf32, #tpu.memory_space<vmem>>[vector<16xi32>, vector<16xi32>], vector<16xf32>,
      %parallel_loop3A_199 = arith.index_cast %parallel_loop3A_183 : i32 to index
      %parallel_loop3A_200 = arith.constant 48 : index
      %parallel_loop3A_201 = tpu.vector_load %arg5[%parallel_loop3A_199, %parallel_loop3A_200] {strides = array<i32>} : memref<64x128xf32, #tpu.memory_space<vmem>>, vector<16xf32>,
      %parallel_loop3A_202 = vector.broadcast %parallel_loop3A_183 : i32 to vector<16xi32>
      %parallel_loop3A_203 = arith.addi %mul3A_46, %parallel_loop3A_202 : vector<16xi32>
      tpu.vector_store_idx %arg7[%shift_right_arithmetic3A_40, %parallel_loop3A_203], %parallel_loop3A_201 : memref<64x128xf32, #tpu.memory_space<vmem>>[vector<16xi32>, vector<16xi32>], vector<16xf32>,
      %parallel_loop3A_204 = arith.index_cast %parallel_loop3A_183 : i32 to index
      %parallel_loop3A_205 = arith.constant 64 : index
      %parallel_loop3A_206 = tpu.vector_load %arg5[%parallel_loop3A_204, %parallel_loop3A_205] {strides = array<i32>} : memref<64x128xf32, #tpu.memory_space<vmem>>, vector<16xf32>,
      %parallel_loop3A_207 = vector.broadcast %parallel_loop3A_183 : i32 to vector<16xi32>
      %parallel_loop3A_208 = arith.addi %mul3A_58, %parallel_loop3A_207 : vector<16xi32>
      tpu.vector_store_idx %arg7[%shift_right_arithmetic3A_52, %parallel_loop3A_208], %parallel_loop3A_206 : memref<64x128xf32, #tpu.memory_space<vmem>>[vector<16xi32>, vector<16xi32>], vector<16xf32>,
      %parallel_loop3A_209 = arith.index_cast %parallel_loop3A_183 : i32 to index
      %parallel_loop3A_210 = arith.constant 80 : index
      %parallel_loop3A_211 = tpu.vector_load %arg5[%parallel_loop3A_209, %parallel_loop3A_210] {strides = array<i32>} : memref<64x128xf32, #tpu.memory_space<vmem>>, vector<16xf32>,
      %parallel_loop3A_212 = vector.broadcast %parallel_loop3A_183 : i32 to vector<16xi32>
      %parallel_loop3A_213 = arith.addi %mul3A_70, %parallel_loop3A_212 : vector<16xi32>
      tpu.vector_store_idx %arg7[%shift_right_arithmetic3A_64, %parallel_loop3A_213], %parallel_loop3A_211 : memref<64x128xf32, #tpu.memory_space<vmem>>[vector<16xi32>, vector<16xi32>], vector<16xf32>,
      %parallel_loop3A_214 = arith.index_cast %parallel_loop3A_183 : i32 to index
      %parallel_loop3A_215 = arith.constant 96 : index
      %parallel_loop3A_216 = tpu.vector_load %arg5[%parallel_loop3A_214, %parallel_loop3A_215] {strides = array<i32>} : memref<64x128xf32, #tpu.memory_space<vmem>>, vector<16xf32>,
      %parallel_loop3A_217 = vector.broadcast %parallel_loop3A_183 : i32 to vector<16xi32>
      %parallel_loop3A_218 = arith.addi %mul3A_82, %parallel_loop3A_217 : vector<16xi32>
      tpu.vector_store_idx %arg7[%shift_right_arithmetic3A_76, %parallel_loop3A_218], %parallel_loop3A_216 : memref<64x128xf32, #tpu.memory_space<vmem>>[vector<16xi32>, vector<16xi32>], vector<16xf32>,
      %parallel_loop3A_219 = arith.index_cast %parallel_loop3A_183 : i32 to index
      %parallel_loop3A_220 = arith.constant 112 : index
      %parallel_loop3A_221 = tpu.vector_load %arg5[%parallel_loop3A_219, %parallel_loop3A_220] {strides = array<i32>} : memref<64x128xf32, #tpu.memory_space<vmem>>, vector<16xf32>,
      %parallel_loop3A_222 = vector.broadcast %parallel_loop3A_183 : i32 to vector<16xi32>
      %parallel_loop3A_223 = arith.addi %mul3A_94, %parallel_loop3A_222 : vector<16xi32>
      tpu.vector_store_idx %arg7[%shift_right_arithmetic3A_88, %parallel_loop3A_223], %parallel_loop3A_221 : memref<64x128xf32, #tpu.memory_space<vmem>>[vector<16xi32>, vector<16xi32>], vector<16xf32>,
    } {sc.loop_unroll_factor = 4 : i64, sc.parallel_access}
    %add3A_119 = arith.constant 0 : i32
    %add3A_120 = arith.addi %add3A, %add3A_119 : i32
    %mul3A_121 = arith.constant 64 : i32
    %mul3A_122 = arith.muli %add3A_120, %mul3A_121 : i32
    %dma_start3A_123 = arith.constant 0 : i32
    %dma_start3A_124 = tpu.memref_slice %arg4[%mul3A_122, %dma_start3A_123] : memref<500000x128xf32, #tpu.memory_space<hbm>> -> memref<64x128xf32, #tpu.memory_space<hbm>>
    %dma_start3A_125 = arith.constant 0 : i32
    %dma_start3A_126 = tpu.memref_slice %arg4[%mul3A_122, %dma_start3A_125] : memref<500000x128xf32, #tpu.memory_space<hbm>> -> memref<64x128xf32, #tpu.memory_space<hbm>>
    tpu.enqueue_dma source(%arg7 : memref<64x128xf32, #tpu.memory_space<vmem>>) target(%dma_start3A_126 : memref<64x128xf32, #tpu.memory_space<hbm>>) target_semaphore(%arg12 : memref<!tpu.dma_semaphore, #tpu.memory_space<semaphore_mem>>)
    %scan3A = arith.constant 0 : i32
    %scan3A_127 = arith.constant 0 : i32
    %scan3A_128 = arith.constant 121 : i32
    %scan3A_129 = arith.addi %scan3A_127, %scan3A_128 : i32
    %scan3A_130 = arith.constant 1 : i32
    scf.for %scan3A_183 = %scan3A_127 to %scan3A_129 step %scan3A_130  : i32 {
      %mul3A_184 = arith.constant 2 : i32
      %mul3A_185 = arith.muli %mul3A_184, %scan3A_183 : i32
      %add3A_186 = arith.constant 1 : i32
      %add3A_187 = arith.addi %mul3A_185, %add3A_186 : i32
      %add3A_188 = arith.constant 1 : i32
      %add3A_189 = arith.addi %add3A_187, %add3A_188 : i32
      %mul3A_190 = arith.constant 32 : i32
      %mul3A_191 = arith.muli %add3A_189, %mul3A_190 : i32
      %add3A_192 = arith.addi %add3A, %mul3A_191 : i32
      %mul3A_193 = arith.constant 128 : i32
      %mul3A_194 = arith.muli %add3A_192, %mul3A_193 : i32
      %dma_start3A_195 = arith.constant 0 : i32
      %dma_start3A_196 = tpu.memref_slice %arg2[%dma_start3A_195, %mul3A_194] : memref<64x1000000xf32, #tpu.memory_space<hbm>> -> memref<64x128xf32, #tpu.memory_space<hbm>>
      %dma_start3A_197 = arith.constant 0 : i32
      %dma_start3A_198 = tpu.memref_slice %arg2[%dma_start3A_197, %mul3A_194] : memref<64x1000000xf32, #tpu.memory_space<hbm>> -> memref<64x128xf32, #tpu.memory_space<hbm>>
      tpu.enqueue_dma source(%dma_start3A_198 : memref<64x128xf32, #tpu.memory_space<hbm>>) target(%arg5 : memref<64x128xf32, #tpu.memory_space<vmem>>) target_semaphore(%arg10 : memref<!tpu.dma_semaphore, #tpu.memory_space<semaphore_mem>>)
      %mul3A_199 = arith.constant 32 : i32
      %mul3A_200 = arith.muli %add3A_187, %mul3A_199 : i32
      %add3A_201 = arith.addi %add3A, %mul3A_200 : i32
      %mul3A_202 = arith.constant 128 : i32
      %mul3A_203 = arith.muli %add3A_201, %mul3A_202 : i32
      %dma_wait3A_204 = arith.constant 0 : i32
      %dma_wait3A_205 = tpu.memref_slice %arg2[%dma_wait3A_204, %mul3A_203] : memref<64x1000000xf32, #tpu.memory_space<hbm>> -> memref<64x128xf32, #tpu.memory_space<hbm>>
      %dma_wait3A_206 = arith.constant 0 : i32
      %dma_wait3A_207 = tpu.memref_slice %arg2[%dma_wait3A_206, %mul3A_203] : memref<64x1000000xf32, #tpu.memory_space<hbm>> -> memref<64x128xf32, #tpu.memory_space<hbm>>
      tpu.wait_dma2 semaphore(%arg11 : memref<!tpu.dma_semaphore, #tpu.memory_space<semaphore_mem>>) src(%dma_wait3A_207 : memref<64x128xf32, #tpu.memory_space<hbm>>) dst(%arg6 : memref<64x128xf32, #tpu.memory_space<vmem>>)
      %ge3A = arith.constant 2 : i32
      %ge3A_208 = arith.cmpi sge, %add3A_187, %ge3A : i32
      %convert_element_type3A_209 = arith.extui %ge3A_208 : i1 to i32
      %cond3A_210 = arith.constant 0 : i32
      %cond3A_211 = arith.cmpi ne, %convert_element_type3A_209, %cond3A_210 : i32
      scf.if %cond3A_211 {
        %sub3A = arith.constant 2 : i32
        %sub3A_265 = arith.subi %add3A_187, %sub3A : i32
        %mul3A_266 = arith.constant 32 : i32
        %mul3A_267 = arith.muli %sub3A_265, %mul3A_266 : i32
        %add3A_268 = arith.addi %add3A, %mul3A_267 : i32
        %mul3A_269 = arith.constant 64 : i32
        %mul3A_270 = arith.muli %add3A_268, %mul3A_269 : i32
        %dma_wait3A_271 = arith.constant 0 : i32
        %dma_wait3A_272 = tpu.memref_slice %arg4[%mul3A_270, %dma_wait3A_271] : memref<500000x128xf32, #tpu.memory_space<hbm>> -> memref<64x128xf32, #tpu.memory_space<hbm>>
        %dma_wait3A_273 = arith.constant 0 : i32
        %dma_wait3A_274 = tpu.memref_slice %arg4[%mul3A_270, %dma_wait3A_273] : memref<500000x128xf32, #tpu.memory_space<hbm>> -> memref<64x128xf32, #tpu.memory_space<hbm>>
        tpu.wait_dma2 semaphore(%arg13 : memref<!tpu.dma_semaphore, #tpu.memory_space<semaphore_mem>>) src(%arg8 : memref<64x128xf32, #tpu.memory_space<vmem>>) dst(%dma_wait3A_274 : memref<64x128xf32, #tpu.memory_space<hbm>>)
      } else {
      }
      %parallel_loop3A_212 = arith.constant 0 : i32
      %parallel_loop3A_213 = arith.constant 64 : i32
      %parallel_loop3A_214 = arith.constant 1 : i32
      scf.for %parallel_loop3A_265 = %parallel_loop3A_212 to %parallel_loop3A_213 step %parallel_loop3A_214  : i32 {
        %parallel_loop3A_266 = arith.index_cast %parallel_loop3A_265 : i32 to index
        %parallel_loop3A_267 = arith.constant 0 : index
        %parallel_loop3A_268 = tpu.vector_load %arg6[%parallel_loop3A_266, %parallel_loop3A_267] {strides = array<i32>} : memref<64x128xf32, #tpu.memory_space<vmem>>, vector<16xf32>,
        %parallel_loop3A_269 = vector.broadcast %parallel_loop3A_265 : i32 to vector<16xi32>
        %parallel_loop3A_270 = arith.addi %mul3A_10, %parallel_loop3A_269 : vector<16xi32>
        tpu.vector_store_idx %arg8[%shift_right_arithmetic3A_5, %parallel_loop3A_270], %parallel_loop3A_268 : memref<64x128xf32, #tpu.memory_space<vmem>>[vector<16xi32>, vector<16xi32>], vector<16xf32>,
        %parallel_loop3A_271 = arith.index_cast %parallel_loop3A_265 : i32 to index
        %parallel_loop3A_272 = arith.constant 16 : index
        %parallel_loop3A_273 = tpu.vector_load %arg6[%parallel_loop3A_271, %parallel_loop3A_272] {strides = array<i32>} : memref<64x128xf32, #tpu.memory_space<vmem>>, vector<16xf32>,
        %parallel_loop3A_274 = vector.broadcast %parallel_loop3A_265 : i32 to vector<16xi32>
        %parallel_loop3A_275 = arith.addi %mul3A_22, %parallel_loop3A_274 : vector<16xi32>
        tpu.vector_store_idx %arg8[%shift_right_arithmetic3A_16, %parallel_loop3A_275], %parallel_loop3A_273 : memref<64x128xf32, #tpu.memory_space<vmem>>[vector<16xi32>, vector<16xi32>], vector<16xf32>,
        %parallel_loop3A_276 = arith.index_cast %parallel_loop3A_265 : i32 to index
        %parallel_loop3A_277 = arith.constant 32 : index
        %parallel_loop3A_278 = tpu.vector_load %arg6[%parallel_loop3A_276, %parallel_loop3A_277] {strides = array<i32>} : memref<64x128xf32, #tpu.memory_space<vmem>>, vector<16xf32>,
        %parallel_loop3A_279 = vector.broadcast %parallel_loop3A_265 : i32 to vector<16xi32>
        %parallel_loop3A_280 = arith.addi %mul3A_34, %parallel_loop3A_279 : vector<16xi32>
        tpu.vector_store_idx %arg8[%shift_right_arithmetic3A_28, %parallel_loop3A_280], %parallel_loop3A_278 : memref<64x128xf32, #tpu.memory_space<vmem>>[vector<16xi32>, vector<16xi32>], vector<16xf32>,
        %parallel_loop3A_281 = arith.index_cast %parallel_loop3A_265 : i32 to index
        %parallel_loop3A_282 = arith.constant 48 : index
        %parallel_loop3A_283 = tpu.vector_load %arg6[%parallel_loop3A_281, %parallel_loop3A_282] {strides = array<i32>} : memref<64x128xf32, #tpu.memory_space<vmem>>, vector<16xf32>,
        %parallel_loop3A_284 = vector.broadcast %parallel_loop3A_265 : i32 to vector<16xi32>
        %parallel_loop3A_285 = arith.addi %mul3A_46, %parallel_loop3A_284 : vector<16xi32>
        tpu.vector_store_idx %arg8[%shift_right_arithmetic3A_40, %parallel_loop3A_285], %parallel_loop3A_283 : memref<64x128xf32, #tpu.memory_space<vmem>>[vector<16xi32>, vector<16xi32>], vector<16xf32>,
        %parallel_loop3A_286 = arith.index_cast %parallel_loop3A_265 : i32 to index
        %parallel_loop3A_287 = arith.constant 64 : index
        %parallel_loop3A_288 = tpu.vector_load %arg6[%parallel_loop3A_286, %parallel_loop3A_287] {strides = array<i32>} : memref<64x128xf32, #tpu.memory_space<vmem>>, vector<16xf32>,
        %parallel_loop3A_289 = vector.broadcast %parallel_loop3A_265 : i32 to vector<16xi32>
        %parallel_loop3A_290 = arith.addi %mul3A_58, %parallel_loop3A_289 : vector<16xi32>
        tpu.vector_store_idx %arg8[%shift_right_arithmetic3A_52, %parallel_loop3A_290], %parallel_loop3A_288 : memref<64x128xf32, #tpu.memory_space<vmem>>[vector<16xi32>, vector<16xi32>], vector<16xf32>,
        %parallel_loop3A_291 = arith.index_cast %parallel_loop3A_265 : i32 to index
        %parallel_loop3A_292 = arith.constant 80 : index
        %parallel_loop3A_293 = tpu.vector_load %arg6[%parallel_loop3A_291, %parallel_loop3A_292] {strides = array<i32>} : memref<64x128xf32, #tpu.memory_space<vmem>>, vector<16xf32>,
        %parallel_loop3A_294 = vector.broadcast %parallel_loop3A_265 : i32 to vector<16xi32>
        %parallel_loop3A_295 = arith.addi %mul3A_70, %parallel_loop3A_294 : vector<16xi32>
        tpu.vector_store_idx %arg8[%shift_right_arithmetic3A_64, %parallel_loop3A_295], %parallel_loop3A_293 : memref<64x128xf32, #tpu.memory_space<vmem>>[vector<16xi32>, vector<16xi32>], vector<16xf32>,
        %parallel_loop3A_296 = arith.index_cast %parallel_loop3A_265 : i32 to index
        %parallel_loop3A_297 = arith.constant 96 : index
        %parallel_loop3A_298 = tpu.vector_load %arg6[%parallel_loop3A_296, %parallel_loop3A_297] {strides = array<i32>} : memref<64x128xf32, #tpu.memory_space<vmem>>, vector<16xf32>,
        %parallel_loop3A_299 = vector.broadcast %parallel_loop3A_265 : i32 to vector<16xi32>
        %parallel_loop3A_300 = arith.addi %mul3A_82, %parallel_loop3A_299 : vector<16xi32>
        tpu.vector_store_idx %arg8[%shift_right_arithmetic3A_76, %parallel_loop3A_300], %parallel_loop3A_298 : memref<64x128xf32, #tpu.memory_space<vmem>>[vector<16xi32>, vector<16xi32>], vector<16xf32>,
        %parallel_loop3A_301 = arith.index_cast %parallel_loop3A_265 : i32 to index
        %parallel_loop3A_302 = arith.constant 112 : index
        %parallel_loop3A_303 = tpu.vector_load %arg6[%parallel_loop3A_301, %parallel_loop3A_302] {strides = array<i32>} : memref<64x128xf32, #tpu.memory_space<vmem>>, vector<16xf32>,
        %parallel_loop3A_304 = vector.broadcast %parallel_loop3A_265 : i32 to vector<16xi32>
        %parallel_loop3A_305 = arith.addi %mul3A_94, %parallel_loop3A_304 : vector<16xi32>
        tpu.vector_store_idx %arg8[%shift_right_arithmetic3A_88, %parallel_loop3A_305], %parallel_loop3A_303 : memref<64x128xf32, #tpu.memory_space<vmem>>[vector<16xi32>, vector<16xi32>], vector<16xf32>,
      } {sc.loop_unroll_factor = 4 : i64, sc.parallel_access}
      %mul3A_215 = arith.constant 32 : i32
      %mul3A_216 = arith.muli %add3A_187, %mul3A_215 : i32
      %add3A_217 = arith.addi %add3A, %mul3A_216 : i32
      %mul3A_218 = arith.constant 64 : i32
      %mul3A_219 = arith.muli %add3A_217, %mul3A_218 : i32
      %dma_start3A_220 = arith.constant 0 : i32
      %dma_start3A_221 = tpu.memref_slice %arg4[%mul3A_219, %dma_start3A_220] : memref<500000x128xf32, #tpu.memory_space<hbm>> -> memref<64x128xf32, #tpu.memory_space<hbm>>
      %dma_start3A_222 = arith.constant 0 : i32
      %dma_start3A_223 = tpu.memref_slice %arg4[%mul3A_219, %dma_start3A_222] : memref<500000x128xf32, #tpu.memory_space<hbm>> -> memref<64x128xf32, #tpu.memory_space<hbm>>
      tpu.enqueue_dma source(%arg8 : memref<64x128xf32, #tpu.memory_space<vmem>>) target(%dma_start3A_223 : memref<64x128xf32, #tpu.memory_space<hbm>>) target_semaphore(%arg13 : memref<!tpu.dma_semaphore, #tpu.memory_space<semaphore_mem>>)
      %mul3A_224 = arith.constant 2 : i32
      %mul3A_225 = arith.muli %mul3A_224, %scan3A_183 : i32
      %add3A_226 = arith.constant 2 : i32
      %add3A_227 = arith.addi %mul3A_225, %add3A_226 : i32
      %add3A_228 = arith.constant 1 : i32
      %add3A_229 = arith.addi %add3A_227, %add3A_228 : i32
      %mul3A_230 = arith.constant 32 : i32
      %mul3A_231 = arith.muli %add3A_229, %mul3A_230 : i32
      %add3A_232 = arith.addi %add3A, %mul3A_231 : i32
      %mul3A_233 = arith.constant 128 : i32
      %mul3A_234 = arith.muli %add3A_232, %mul3A_233 : i32
      %dma_start3A_235 = arith.constant 0 : i32
      %dma_start3A_236 = tpu.memref_slice %arg2[%dma_start3A_235, %mul3A_234] : memref<64x1000000xf32, #tpu.memory_space<hbm>> -> memref<64x128xf32, #tpu.memory_space<hbm>>
      %dma_start3A_237 = arith.constant 0 : i32
      %dma_start3A_238 = tpu.memref_slice %arg2[%dma_start3A_237, %mul3A_234] : memref<64x1000000xf32, #tpu.memory_space<hbm>> -> memref<64x128xf32, #tpu.memory_space<hbm>>
      tpu.enqueue_dma source(%dma_start3A_238 : memref<64x128xf32, #tpu.memory_space<hbm>>) target(%arg6 : memref<64x128xf32, #tpu.memory_space<vmem>>) target_semaphore(%arg11 : memref<!tpu.dma_semaphore, #tpu.memory_space<semaphore_mem>>)
      %mul3A_239 = arith.constant 32 : i32
      %mul3A_240 = arith.muli %add3A_227, %mul3A_239 : i32
      %add3A_241 = arith.addi %add3A, %mul3A_240 : i32
      %mul3A_242 = arith.constant 128 : i32
      %mul3A_243 = arith.muli %add3A_241, %mul3A_242 : i32
      %dma_wait3A_244 = arith.constant 0 : i32
      %dma_wait3A_245 = tpu.memref_slice %arg2[%dma_wait3A_244, %mul3A_243] : memref<64x1000000xf32, #tpu.memory_space<hbm>> -> memref<64x128xf32, #tpu.memory_space<hbm>>
      %dma_wait3A_246 = arith.constant 0 : i32
      %dma_wait3A_247 = tpu.memref_slice %arg2[%dma_wait3A_246, %mul3A_243] : memref<64x1000000xf32, #tpu.memory_space<hbm>> -> memref<64x128xf32, #tpu.memory_space<hbm>>
      tpu.wait_dma2 semaphore(%arg10 : memref<!tpu.dma_semaphore, #tpu.memory_space<semaphore_mem>>) src(%dma_wait3A_247 : memref<64x128xf32, #tpu.memory_space<hbm>>) dst(%arg5 : memref<64x128xf32, #tpu.memory_space<vmem>>)
      %ge3A_248 = arith.constant 2 : i32
      %ge3A_249 = arith.cmpi sge, %add3A_227, %ge3A_248 : i32
      %convert_element_type3A_250 = arith.extui %ge3A_249 : i1 to i32
      %cond3A_251 = arith.constant 0 : i32
      %cond3A_252 = arith.cmpi ne, %convert_element_type3A_250, %cond3A_251 : i32
      scf.if %cond3A_252 {
        %sub3A = arith.constant 2 : i32
        %sub3A_265 = arith.subi %add3A_227, %sub3A : i32
        %mul3A_266 = arith.constant 32 : i32
        %mul3A_267 = arith.muli %sub3A_265, %mul3A_266 : i32
        %add3A_268 = arith.addi %add3A, %mul3A_267 : i32
        %mul3A_269 = arith.constant 64 : i32
        %mul3A_270 = arith.muli %add3A_268, %mul3A_269 : i32
        %dma_wait3A_271 = arith.constant 0 : i32
        %dma_wait3A_272 = tpu.memref_slice %arg4[%mul3A_270, %dma_wait3A_271] : memref<500000x128xf32, #tpu.memory_space<hbm>> -> memref<64x128xf32, #tpu.memory_space<hbm>>
        %dma_wait3A_273 = arith.constant 0 : i32
        %dma_wait3A_274 = tpu.memref_slice %arg4[%mul3A_270, %dma_wait3A_273] : memref<500000x128xf32, #tpu.memory_space<hbm>> -> memref<64x128xf32, #tpu.memory_space<hbm>>
        tpu.wait_dma2 semaphore(%arg12 : memref<!tpu.dma_semaphore, #tpu.memory_space<semaphore_mem>>) src(%arg7 : memref<64x128xf32, #tpu.memory_space<vmem>>) dst(%dma_wait3A_274 : memref<64x128xf32, #tpu.memory_space<hbm>>)
      } else {
      }
      %parallel_loop3A_253 = arith.constant 0 : i32
      %parallel_loop3A_254 = arith.constant 64 : i32
      %parallel_loop3A_255 = arith.constant 1 : i32
      scf.for %parallel_loop3A_265 = %parallel_loop3A_253 to %parallel_loop3A_254 step %parallel_loop3A_255  : i32 {
        %parallel_loop3A_266 = arith.index_cast %parallel_loop3A_265 : i32 to index
        %parallel_loop3A_267 = arith.constant 0 : index
        %parallel_loop3A_268 = tpu.vector_load %arg5[%parallel_loop3A_266, %parallel_loop3A_267] {strides = array<i32>} : memref<64x128xf32, #tpu.memory_space<vmem>>, vector<16xf32>,
        %parallel_loop3A_269 = vector.broadcast %parallel_loop3A_265 : i32 to vector<16xi32>
        %parallel_loop3A_270 = arith.addi %mul3A_10, %parallel_loop3A_269 : vector<16xi32>
        tpu.vector_store_idx %arg7[%shift_right_arithmetic3A_5, %parallel_loop3A_270], %parallel_loop3A_268 : memref<64x128xf32, #tpu.memory_space<vmem>>[vector<16xi32>, vector<16xi32>], vector<16xf32>,
        %parallel_loop3A_271 = arith.index_cast %parallel_loop3A_265 : i32 to index
        %parallel_loop3A_272 = arith.constant 16 : index
        %parallel_loop3A_273 = tpu.vector_load %arg5[%parallel_loop3A_271, %parallel_loop3A_272] {strides = array<i32>} : memref<64x128xf32, #tpu.memory_space<vmem>>, vector<16xf32>,
        %parallel_loop3A_274 = vector.broadcast %parallel_loop3A_265 : i32 to vector<16xi32>
        %parallel_loop3A_275 = arith.addi %mul3A_22, %parallel_loop3A_274 : vector<16xi32>
        tpu.vector_store_idx %arg7[%shift_right_arithmetic3A_16, %parallel_loop3A_275], %parallel_loop3A_273 : memref<64x128xf32, #tpu.memory_space<vmem>>[vector<16xi32>, vector<16xi32>], vector<16xf32>,
        %parallel_loop3A_276 = arith.index_cast %parallel_loop3A_265 : i32 to index
        %parallel_loop3A_277 = arith.constant 32 : index
        %parallel_loop3A_278 = tpu.vector_load %arg5[%parallel_loop3A_276, %parallel_loop3A_277] {strides = array<i32>} : memref<64x128xf32, #tpu.memory_space<vmem>>, vector<16xf32>,
        %parallel_loop3A_279 = vector.broadcast %parallel_loop3A_265 : i32 to vector<16xi32>
        %parallel_loop3A_280 = arith.addi %mul3A_34, %parallel_loop3A_279 : vector<16xi32>
        tpu.vector_store_idx %arg7[%shift_right_arithmetic3A_28, %parallel_loop3A_280], %parallel_loop3A_278 : memref<64x128xf32, #tpu.memory_space<vmem>>[vector<16xi32>, vector<16xi32>], vector<16xf32>,
        %parallel_loop3A_281 = arith.index_cast %parallel_loop3A_265 : i32 to index
        %parallel_loop3A_282 = arith.constant 48 : index
        %parallel_loop3A_283 = tpu.vector_load %arg5[%parallel_loop3A_281, %parallel_loop3A_282] {strides = array<i32>} : memref<64x128xf32, #tpu.memory_space<vmem>>, vector<16xf32>,
        %parallel_loop3A_284 = vector.broadcast %parallel_loop3A_265 : i32 to vector<16xi32>
        %parallel_loop3A_285 = arith.addi %mul3A_46, %parallel_loop3A_284 : vector<16xi32>
        tpu.vector_store_idx %arg7[%shift_right_arithmetic3A_40, %parallel_loop3A_285], %parallel_loop3A_283 : memref<64x128xf32, #tpu.memory_space<vmem>>[vector<16xi32>, vector<16xi32>], vector<16xf32>,
        %parallel_loop3A_286 = arith.index_cast %parallel_loop3A_265 : i32 to index
        %parallel_loop3A_287 = arith.constant 64 : index
        %parallel_loop3A_288 = tpu.vector_load %arg5[%parallel_loop3A_286, %parallel_loop3A_287] {strides = array<i32>} : memref<64x128xf32, #tpu.memory_space<vmem>>, vector<16xf32>,
        %parallel_loop3A_289 = vector.broadcast %parallel_loop3A_265 : i32 to vector<16xi32>
        %parallel_loop3A_290 = arith.addi %mul3A_58, %parallel_loop3A_289 : vector<16xi32>
        tpu.vector_store_idx %arg7[%shift_right_arithmetic3A_52, %parallel_loop3A_290], %parallel_loop3A_288 : memref<64x128xf32, #tpu.memory_space<vmem>>[vector<16xi32>, vector<16xi32>], vector<16xf32>,
        %parallel_loop3A_291 = arith.index_cast %parallel_loop3A_265 : i32 to index
        %parallel_loop3A_292 = arith.constant 80 : index
        %parallel_loop3A_293 = tpu.vector_load %arg5[%parallel_loop3A_291, %parallel_loop3A_292] {strides = array<i32>} : memref<64x128xf32, #tpu.memory_space<vmem>>, vector<16xf32>,
        %parallel_loop3A_294 = vector.broadcast %parallel_loop3A_265 : i32 to vector<16xi32>
        %parallel_loop3A_295 = arith.addi %mul3A_70, %parallel_loop3A_294 : vector<16xi32>
        tpu.vector_store_idx %arg7[%shift_right_arithmetic3A_64, %parallel_loop3A_295], %parallel_loop3A_293 : memref<64x128xf32, #tpu.memory_space<vmem>>[vector<16xi32>, vector<16xi32>], vector<16xf32>,
        %parallel_loop3A_296 = arith.index_cast %parallel_loop3A_265 : i32 to index
        %parallel_loop3A_297 = arith.constant 96 : index
        %parallel_loop3A_298 = tpu.vector_load %arg5[%parallel_loop3A_296, %parallel_loop3A_297] {strides = array<i32>} : memref<64x128xf32, #tpu.memory_space<vmem>>, vector<16xf32>,
        %parallel_loop3A_299 = vector.broadcast %parallel_loop3A_265 : i32 to vector<16xi32>
        %parallel_loop3A_300 = arith.addi %mul3A_82, %parallel_loop3A_299 : vector<16xi32>
        tpu.vector_store_idx %arg7[%shift_right_arithmetic3A_76, %parallel_loop3A_300], %parallel_loop3A_298 : memref<64x128xf32, #tpu.memory_space<vmem>>[vector<16xi32>, vector<16xi32>], vector<16xf32>,
        %parallel_loop3A_301 = arith.index_cast %parallel_loop3A_265 : i32 to index
        %parallel_loop3A_302 = arith.constant 112 : index
        %parallel_loop3A_303 = tpu.vector_load %arg5[%parallel_loop3A_301, %parallel_loop3A_302] {strides = array<i32>} : memref<64x128xf32, #tpu.memory_space<vmem>>, vector<16xf32>,
        %parallel_loop3A_304 = vector.broadcast %parallel_loop3A_265 : i32 to vector<16xi32>
        %parallel_loop3A_305 = arith.addi %mul3A_94, %parallel_loop3A_304 : vector<16xi32>
        tpu.vector_store_idx %arg7[%shift_right_arithmetic3A_88, %parallel_loop3A_305], %parallel_loop3A_303 : memref<64x128xf32, #tpu.memory_space<vmem>>[vector<16xi32>, vector<16xi32>], vector<16xf32>,
      } {sc.loop_unroll_factor = 4 : i64, sc.parallel_access}
      %mul3A_256 = arith.constant 32 : i32
      %mul3A_257 = arith.muli %add3A_227, %mul3A_256 : i32
      %add3A_258 = arith.addi %add3A, %mul3A_257 : i32
      %mul3A_259 = arith.constant 64 : i32
      %mul3A_260 = arith.muli %add3A_258, %mul3A_259 : i32
      %dma_start3A_261 = arith.constant 0 : i32
      %dma_start3A_262 = tpu.memref_slice %arg4[%mul3A_260, %dma_start3A_261] : memref<500000x128xf32, #tpu.memory_space<hbm>> -> memref<64x128xf32, #tpu.memory_space<hbm>>
      %dma_start3A_263 = arith.constant 0 : i32
      %dma_start3A_264 = tpu.memref_slice %arg4[%mul3A_260, %dma_start3A_263] : memref<500000x128xf32, #tpu.memory_space<hbm>> -> memref<64x128xf32, #tpu.memory_space<hbm>>
      tpu.enqueue_dma source(%arg7 : memref<64x128xf32, #tpu.memory_space<vmem>>) target(%dma_start3A_264 : memref<64x128xf32, #tpu.memory_space<hbm>>) target_semaphore(%arg12 : memref<!tpu.dma_semaphore, #tpu.memory_space<semaphore_mem>>)
    }
    %scan3A_131 = arith.constant 121 : i32
    %lt3A = arith.constant 4 : i32
    %lt3A_132 = arith.cmpi slt, %add3A, %lt3A : i32
    %convert_element_type3A = arith.extui %lt3A_132 : i1 to i32
    %cond3A = arith.constant 0 : i32
    %cond3A_133 = arith.cmpi ne, %convert_element_type3A, %cond3A : i32
    scf.if %cond3A_133 {
      %add3A_183 = arith.constant 7808 : i32
      %add3A_184 = arith.addi %add3A, %add3A_183 : i32
      %mul3A_185 = arith.constant 128 : i32
      %mul3A_186 = arith.muli %add3A_184, %mul3A_185 : i32
      %dma_start3A_187 = arith.constant 0 : i32
      %dma_start3A_188 = tpu.memref_slice %arg2[%dma_start3A_187, %mul3A_186] : memref<64x1000000xf32, #tpu.memory_space<hbm>> -> memref<64x128xf32, #tpu.memory_space<hbm>>
      %dma_start3A_189 = arith.constant 0 : i32
      %dma_start3A_190 = tpu.memref_slice %arg2[%dma_start3A_189, %mul3A_186] : memref<64x1000000xf32, #tpu.memory_space<hbm>> -> memref<64x128xf32, #tpu.memory_space<hbm>>
      tpu.enqueue_dma source(%dma_start3A_190 : memref<64x128xf32, #tpu.memory_space<hbm>>) target(%arg5 : memref<64x128xf32, #tpu.memory_space<vmem>>) target_semaphore(%arg10 : memref<!tpu.dma_semaphore, #tpu.memory_space<semaphore_mem>>)
    } else {
    }
    %add3A_134 = arith.constant 7776 : i32
    %add3A_135 = arith.addi %add3A, %add3A_134 : i32
    %mul3A_136 = arith.constant 128 : i32
    %mul3A_137 = arith.muli %add3A_135, %mul3A_136 : i32
    %dma_wait3A_138 = arith.constant 0 : i32
    %dma_wait3A_139 = tpu.memref_slice %arg2[%dma_wait3A_138, %mul3A_137] : memref<64x1000000xf32, #tpu.memory_space<hbm>> -> memref<64x128xf32, #tpu.memory_space<hbm>>
    %dma_wait3A_140 = arith.constant 0 : i32
    %dma_wait3A_141 = tpu.memref_slice %arg2[%dma_wait3A_140, %mul3A_137] : memref<64x1000000xf32, #tpu.memory_space<hbm>> -> memref<64x128xf32, #tpu.memory_space<hbm>>
    tpu.wait_dma2 semaphore(%arg11 : memref<!tpu.dma_semaphore, #tpu.memory_space<semaphore_mem>>) src(%dma_wait3A_141 : memref<64x128xf32, #tpu.memory_space<hbm>>) dst(%arg6 : memref<64x128xf32, #tpu.memory_space<vmem>>)
    %add3A_142 = arith.constant 7712 : i32
    %add3A_143 = arith.addi %add3A, %add3A_142 : i32
    %mul3A_144 = arith.constant 64 : i32
    %mul3A_145 = arith.muli %add3A_143, %mul3A_144 : i32
    %dma_wait3A_146 = arith.constant 0 : i32
    %dma_wait3A_147 = tpu.memref_slice %arg4[%mul3A_145, %dma_wait3A_146] : memref<500000x128xf32, #tpu.memory_space<hbm>> -> memref<64x128xf32, #tpu.memory_space<hbm>>
    %dma_wait3A_148 = arith.constant 0 : i32
    %dma_wait3A_149 = tpu.memref_slice %arg4[%mul3A_145, %dma_wait3A_148] : memref<500000x128xf32, #tpu.memory_space<hbm>> -> memref<64x128xf32, #tpu.memory_space<hbm>>
    tpu.wait_dma2 semaphore(%arg13 : memref<!tpu.dma_semaphore, #tpu.memory_space<semaphore_mem>>) src(%arg8 : memref<64x128xf32, #tpu.memory_space<vmem>>) dst(%dma_wait3A_149 : memref<64x128xf32, #tpu.memory_space<hbm>>)
    %parallel_loop3A_150 = arith.constant 0 : i32
    %parallel_loop3A_151 = arith.constant 64 : i32
    %parallel_loop3A_152 = arith.constant 1 : i32
    scf.for %parallel_loop3A_183 = %parallel_loop3A_150 to %parallel_loop3A_151 step %parallel_loop3A_152  : i32 {
      %parallel_loop3A_184 = arith.index_cast %parallel_loop3A_183 : i32 to index
      %parallel_loop3A_185 = arith.constant 0 : index
      %parallel_loop3A_186 = tpu.vector_load %arg6[%parallel_loop3A_184, %parallel_loop3A_185] {strides = array<i32>} : memref<64x128xf32, #tpu.memory_space<vmem>>, vector<16xf32>,
      %parallel_loop3A_187 = vector.broadcast %parallel_loop3A_183 : i32 to vector<16xi32>
      %parallel_loop3A_188 = arith.addi %mul3A_10, %parallel_loop3A_187 : vector<16xi32>
      tpu.vector_store_idx %arg8[%shift_right_arithmetic3A_5, %parallel_loop3A_188], %parallel_loop3A_186 : memref<64x128xf32, #tpu.memory_space<vmem>>[vector<16xi32>, vector<16xi32>], vector<16xf32>,
      %parallel_loop3A_189 = arith.index_cast %parallel_loop3A_183 : i32 to index
      %parallel_loop3A_190 = arith.constant 16 : index
      %parallel_loop3A_191 = tpu.vector_load %arg6[%parallel_loop3A_189, %parallel_loop3A_190] {strides = array<i32>} : memref<64x128xf32, #tpu.memory_space<vmem>>, vector<16xf32>,
      %parallel_loop3A_192 = vector.broadcast %parallel_loop3A_183 : i32 to vector<16xi32>
      %parallel_loop3A_193 = arith.addi %mul3A_22, %parallel_loop3A_192 : vector<16xi32>
      tpu.vector_store_idx %arg8[%shift_right_arithmetic3A_16, %parallel_loop3A_193], %parallel_loop3A_191 : memref<64x128xf32, #tpu.memory_space<vmem>>[vector<16xi32>, vector<16xi32>], vector<16xf32>,
      %parallel_loop3A_194 = arith.index_cast %parallel_loop3A_183 : i32 to index
      %parallel_loop3A_195 = arith.constant 32 : index
      %parallel_loop3A_196 = tpu.vector_load %arg6[%parallel_loop3A_194, %parallel_loop3A_195] {strides = array<i32>} : memref<64x128xf32, #tpu.memory_space<vmem>>, vector<16xf32>,
      %parallel_loop3A_197 = vector.broadcast %parallel_loop3A_183 : i32 to vector<16xi32>
      %parallel_loop3A_198 = arith.addi %mul3A_34, %parallel_loop3A_197 : vector<16xi32>
      tpu.vector_store_idx %arg8[%shift_right_arithmetic3A_28, %parallel_loop3A_198], %parallel_loop3A_196 : memref<64x128xf32, #tpu.memory_space<vmem>>[vector<16xi32>, vector<16xi32>], vector<16xf32>,
      %parallel_loop3A_199 = arith.index_cast %parallel_loop3A_183 : i32 to index
      %parallel_loop3A_200 = arith.constant 48 : index
      %parallel_loop3A_201 = tpu.vector_load %arg6[%parallel_loop3A_199, %parallel_loop3A_200] {strides = array<i32>} : memref<64x128xf32, #tpu.memory_space<vmem>>, vector<16xf32>,
      %parallel_loop3A_202 = vector.broadcast %parallel_loop3A_183 : i32 to vector<16xi32>
      %parallel_loop3A_203 = arith.addi %mul3A_46, %parallel_loop3A_202 : vector<16xi32>
      tpu.vector_store_idx %arg8[%shift_right_arithmetic3A_40, %parallel_loop3A_203], %parallel_loop3A_201 : memref<64x128xf32, #tpu.memory_space<vmem>>[vector<16xi32>, vector<16xi32>], vector<16xf32>,
      %parallel_loop3A_204 = arith.index_cast %parallel_loop3A_183 : i32 to index
      %parallel_loop3A_205 = arith.constant 64 : index
      %parallel_loop3A_206 = tpu.vector_load %arg6[%parallel_loop3A_204, %parallel_loop3A_205] {strides = array<i32>} : memref<64x128xf32, #tpu.memory_space<vmem>>, vector<16xf32>,
      %parallel_loop3A_207 = vector.broadcast %parallel_loop3A_183 : i32 to vector<16xi32>
      %parallel_loop3A_208 = arith.addi %mul3A_58, %parallel_loop3A_207 : vector<16xi32>
      tpu.vector_store_idx %arg8[%shift_right_arithmetic3A_52, %parallel_loop3A_208], %parallel_loop3A_206 : memref<64x128xf32, #tpu.memory_space<vmem>>[vector<16xi32>, vector<16xi32>], vector<16xf32>,
      %parallel_loop3A_209 = arith.index_cast %parallel_loop3A_183 : i32 to index
      %parallel_loop3A_210 = arith.constant 80 : index
      %parallel_loop3A_211 = tpu.vector_load %arg6[%parallel_loop3A_209, %parallel_loop3A_210] {strides = array<i32>} : memref<64x128xf32, #tpu.memory_space<vmem>>, vector<16xf32>,
      %parallel_loop3A_212 = vector.broadcast %parallel_loop3A_183 : i32 to vector<16xi32>
      %parallel_loop3A_213 = arith.addi %mul3A_70, %parallel_loop3A_212 : vector<16xi32>
      tpu.vector_store_idx %arg8[%shift_right_arithmetic3A_64, %parallel_loop3A_213], %parallel_loop3A_211 : memref<64x128xf32, #tpu.memory_space<vmem>>[vector<16xi32>, vector<16xi32>], vector<16xf32>,
      %parallel_loop3A_214 = arith.index_cast %parallel_loop3A_183 : i32 to index
      %parallel_loop3A_215 = arith.constant 96 : index
      %parallel_loop3A_216 = tpu.vector_load %arg6[%parallel_loop3A_214, %parallel_loop3A_215] {strides = array<i32>} : memref<64x128xf32, #tpu.memory_space<vmem>>, vector<16xf32>,
      %parallel_loop3A_217 = vector.broadcast %parallel_loop3A_183 : i32 to vector<16xi32>
      %parallel_loop3A_218 = arith.addi %mul3A_82, %parallel_loop3A_217 : vector<16xi32>
      tpu.vector_store_idx %arg8[%shift_right_arithmetic3A_76, %parallel_loop3A_218], %parallel_loop3A_216 : memref<64x128xf32, #tpu.memory_space<vmem>>[vector<16xi32>, vector<16xi32>], vector<16xf32>,
      %parallel_loop3A_219 = arith.index_cast %parallel_loop3A_183 : i32 to index
      %parallel_loop3A_220 = arith.constant 112 : index
      %parallel_loop3A_221 = tpu.vector_load %arg6[%parallel_loop3A_219, %parallel_loop3A_220] {strides = array<i32>} : memref<64x128xf32, #tpu.memory_space<vmem>>, vector<16xf32>,
      %parallel_loop3A_222 = vector.broadcast %parallel_loop3A_183 : i32 to vector<16xi32>
      %parallel_loop3A_223 = arith.addi %mul3A_94, %parallel_loop3A_222 : vector<16xi32>
      tpu.vector_store_idx %arg8[%shift_right_arithmetic3A_88, %parallel_loop3A_223], %parallel_loop3A_221 : memref<64x128xf32, #tpu.memory_space<vmem>>[vector<16xi32>, vector<16xi32>], vector<16xf32>,
    } {sc.loop_unroll_factor = 4 : i64, sc.parallel_access}
    %add3A_153 = arith.constant 7776 : i32
    %add3A_154 = arith.addi %add3A, %add3A_153 : i32
    %mul3A_155 = arith.constant 64 : i32
    %mul3A_156 = arith.muli %add3A_154, %mul3A_155 : i32
    %dma_start3A_157 = arith.constant 0 : i32
    %dma_start3A_158 = tpu.memref_slice %arg4[%mul3A_156, %dma_start3A_157] : memref<500000x128xf32, #tpu.memory_space<hbm>> -> memref<64x128xf32, #tpu.memory_space<hbm>>
    %dma_start3A_159 = arith.constant 0 : i32
    %dma_start3A_160 = tpu.memref_slice %arg4[%mul3A_156, %dma_start3A_159] : memref<500000x128xf32, #tpu.memory_space<hbm>> -> memref<64x128xf32, #tpu.memory_space<hbm>>
    tpu.enqueue_dma source(%arg8 : memref<64x128xf32, #tpu.memory_space<vmem>>) target(%dma_start3A_160 : memref<64x128xf32, #tpu.memory_space<hbm>>) target_semaphore(%arg13 : memref<!tpu.dma_semaphore, #tpu.memory_space<semaphore_mem>>)
    %convert_element_type3A_161 = arith.extui %lt3A_132 : i1 to i32
    %cond3A_162 = arith.constant 0 : i32
    %cond3A_163 = arith.cmpi ne, %convert_element_type3A_161, %cond3A_162 : i32
    scf.if %cond3A_163 {
      %add3A_183 = arith.constant 7808 : i32
      %add3A_184 = arith.addi %add3A, %add3A_183 : i32
      %mul3A_185 = arith.constant 128 : i32
      %mul3A_186 = arith.muli %add3A_184, %mul3A_185 : i32
      %dma_wait3A_187 = arith.constant 0 : i32
      %dma_wait3A_188 = tpu.memref_slice %arg2[%dma_wait3A_187, %mul3A_186] : memref<64x1000000xf32, #tpu.memory_space<hbm>> -> memref<64x128xf32, #tpu.memory_space<hbm>>
      %dma_wait3A_189 = arith.constant 0 : i32
      %dma_wait3A_190 = tpu.memref_slice %arg2[%dma_wait3A_189, %mul3A_186] : memref<64x1000000xf32, #tpu.memory_space<hbm>> -> memref<64x128xf32, #tpu.memory_space<hbm>>
      tpu.wait_dma2 semaphore(%arg10 : memref<!tpu.dma_semaphore, #tpu.memory_space<semaphore_mem>>) src(%dma_wait3A_190 : memref<64x128xf32, #tpu.memory_space<hbm>>) dst(%arg5 : memref<64x128xf32, #tpu.memory_space<vmem>>)
      %add3A_191 = arith.constant 7744 : i32
      %add3A_192 = arith.addi %add3A, %add3A_191 : i32
      %mul3A_193 = arith.constant 64 : i32
      %mul3A_194 = arith.muli %add3A_192, %mul3A_193 : i32
      %dma_wait3A_195 = arith.constant 0 : i32
      %dma_wait3A_196 = tpu.memref_slice %arg4[%mul3A_194, %dma_wait3A_195] : memref<500000x128xf32, #tpu.memory_space<hbm>> -> memref<64x128xf32, #tpu.memory_space<hbm>>
      %dma_wait3A_197 = arith.constant 0 : i32
      %dma_wait3A_198 = tpu.memref_slice %arg4[%mul3A_194, %dma_wait3A_197] : memref<500000x128xf32, #tpu.memory_space<hbm>> -> memref<64x128xf32, #tpu.memory_space<hbm>>
      tpu.wait_dma2 semaphore(%arg12 : memref<!tpu.dma_semaphore, #tpu.memory_space<semaphore_mem>>) src(%arg7 : memref<64x128xf32, #tpu.memory_space<vmem>>) dst(%dma_wait3A_198 : memref<64x128xf32, #tpu.memory_space<hbm>>)
      %parallel_loop3A_199 = arith.constant 0 : i32
      %parallel_loop3A_200 = arith.constant 64 : i32
      %parallel_loop3A_201 = arith.constant 1 : i32
      scf.for %parallel_loop3A_210 = %parallel_loop3A_199 to %parallel_loop3A_200 step %parallel_loop3A_201  : i32 {
        %parallel_loop3A_211 = arith.index_cast %parallel_loop3A_210 : i32 to index
        %parallel_loop3A_212 = arith.constant 0 : index
        %parallel_loop3A_213 = tpu.vector_load %arg5[%parallel_loop3A_211, %parallel_loop3A_212] {strides = array<i32>} : memref<64x128xf32, #tpu.memory_space<vmem>>, vector<16xf32>,
        %parallel_loop3A_214 = vector.broadcast %parallel_loop3A_210 : i32 to vector<16xi32>
        %parallel_loop3A_215 = arith.addi %mul3A_10, %parallel_loop3A_214 : vector<16xi32>
        tpu.vector_store_idx %arg7[%shift_right_arithmetic3A_5, %parallel_loop3A_215], %parallel_loop3A_213 : memref<64x128xf32, #tpu.memory_space<vmem>>[vector<16xi32>, vector<16xi32>], vector<16xf32>,
        %parallel_loop3A_216 = arith.index_cast %parallel_loop3A_210 : i32 to index
        %parallel_loop3A_217 = arith.constant 16 : index
        %parallel_loop3A_218 = tpu.vector_load %arg5[%parallel_loop3A_216, %parallel_loop3A_217] {strides = array<i32>} : memref<64x128xf32, #tpu.memory_space<vmem>>, vector<16xf32>,
        %parallel_loop3A_219 = vector.broadcast %parallel_loop3A_210 : i32 to vector<16xi32>
        %parallel_loop3A_220 = arith.addi %mul3A_22, %parallel_loop3A_219 : vector<16xi32>
        tpu.vector_store_idx %arg7[%shift_right_arithmetic3A_16, %parallel_loop3A_220], %parallel_loop3A_218 : memref<64x128xf32, #tpu.memory_space<vmem>>[vector<16xi32>, vector<16xi32>], vector<16xf32>,
        %parallel_loop3A_221 = arith.index_cast %parallel_loop3A_210 : i32 to index
        %parallel_loop3A_222 = arith.constant 32 : index
        %parallel_loop3A_223 = tpu.vector_load %arg5[%parallel_loop3A_221, %parallel_loop3A_222] {strides = array<i32>} : memref<64x128xf32, #tpu.memory_space<vmem>>, vector<16xf32>,
        %parallel_loop3A_224 = vector.broadcast %parallel_loop3A_210 : i32 to vector<16xi32>
        %parallel_loop3A_225 = arith.addi %mul3A_34, %parallel_loop3A_224 : vector<16xi32>
        tpu.vector_store_idx %arg7[%shift_right_arithmetic3A_28, %parallel_loop3A_225], %parallel_loop3A_223 : memref<64x128xf32, #tpu.memory_space<vmem>>[vector<16xi32>, vector<16xi32>], vector<16xf32>,
        %parallel_loop3A_226 = arith.index_cast %parallel_loop3A_210 : i32 to index
        %parallel_loop3A_227 = arith.constant 48 : index
        %parallel_loop3A_228 = tpu.vector_load %arg5[%parallel_loop3A_226, %parallel_loop3A_227] {strides = array<i32>} : memref<64x128xf32, #tpu.memory_space<vmem>>, vector<16xf32>,
        %parallel_loop3A_229 = vector.broadcast %parallel_loop3A_210 : i32 to vector<16xi32>
        %parallel_loop3A_230 = arith.addi %mul3A_46, %parallel_loop3A_229 : vector<16xi32>
        tpu.vector_store_idx %arg7[%shift_right_arithmetic3A_40, %parallel_loop3A_230], %parallel_loop3A_228 : memref<64x128xf32, #tpu.memory_space<vmem>>[vector<16xi32>, vector<16xi32>], vector<16xf32>,
        %parallel_loop3A_231 = arith.index_cast %parallel_loop3A_210 : i32 to index
        %parallel_loop3A_232 = arith.constant 64 : index
        %parallel_loop3A_233 = tpu.vector_load %arg5[%parallel_loop3A_231, %parallel_loop3A_232] {strides = array<i32>} : memref<64x128xf32, #tpu.memory_space<vmem>>, vector<16xf32>,
        %parallel_loop3A_234 = vector.broadcast %parallel_loop3A_210 : i32 to vector<16xi32>
        %parallel_loop3A_235 = arith.addi %mul3A_58, %parallel_loop3A_234 : vector<16xi32>
        tpu.vector_store_idx %arg7[%shift_right_arithmetic3A_52, %parallel_loop3A_235], %parallel_loop3A_233 : memref<64x128xf32, #tpu.memory_space<vmem>>[vector<16xi32>, vector<16xi32>], vector<16xf32>,
        %parallel_loop3A_236 = arith.index_cast %parallel_loop3A_210 : i32 to index
        %parallel_loop3A_237 = arith.constant 80 : index
        %parallel_loop3A_238 = tpu.vector_load %arg5[%parallel_loop3A_236, %parallel_loop3A_237] {strides = array<i32>} : memref<64x128xf32, #tpu.memory_space<vmem>>, vector<16xf32>,
        %parallel_loop3A_239 = vector.broadcast %parallel_loop3A_210 : i32 to vector<16xi32>
        %parallel_loop3A_240 = arith.addi %mul3A_70, %parallel_loop3A_239 : vector<16xi32>
        tpu.vector_store_idx %arg7[%shift_right_arithmetic3A_64, %parallel_loop3A_240], %parallel_loop3A_238 : memref<64x128xf32, #tpu.memory_space<vmem>>[vector<16xi32>, vector<16xi32>], vector<16xf32>,
        %parallel_loop3A_241 = arith.index_cast %parallel_loop3A_210 : i32 to index
        %parallel_loop3A_242 = arith.constant 96 : index
        %parallel_loop3A_243 = tpu.vector_load %arg5[%parallel_loop3A_241, %parallel_loop3A_242] {strides = array<i32>} : memref<64x128xf32, #tpu.memory_space<vmem>>, vector<16xf32>,
        %parallel_loop3A_244 = vector.broadcast %parallel_loop3A_210 : i32 to vector<16xi32>
        %parallel_loop3A_245 = arith.addi %mul3A_82, %parallel_loop3A_244 : vector<16xi32>
        tpu.vector_store_idx %arg7[%shift_right_arithmetic3A_76, %parallel_loop3A_245], %parallel_loop3A_243 : memref<64x128xf32, #tpu.memory_space<vmem>>[vector<16xi32>, vector<16xi32>], vector<16xf32>,
        %parallel_loop3A_246 = arith.index_cast %parallel_loop3A_210 : i32 to index
        %parallel_loop3A_247 = arith.constant 112 : index
        %parallel_loop3A_248 = tpu.vector_load %arg5[%parallel_loop3A_246, %parallel_loop3A_247] {strides = array<i32>} : memref<64x128xf32, #tpu.memory_space<vmem>>, vector<16xf32>,
        %parallel_loop3A_249 = vector.broadcast %parallel_loop3A_210 : i32 to vector<16xi32>
        %parallel_loop3A_250 = arith.addi %mul3A_94, %parallel_loop3A_249 : vector<16xi32>
        tpu.vector_store_idx %arg7[%shift_right_arithmetic3A_88, %parallel_loop3A_250], %parallel_loop3A_248 : memref<64x128xf32, #tpu.memory_space<vmem>>[vector<16xi32>, vector<16xi32>], vector<16xf32>,
      } {sc.loop_unroll_factor = 4 : i64, sc.parallel_access}
      %add3A_202 = arith.constant 7808 : i32
      %add3A_203 = arith.addi %add3A, %add3A_202 : i32
      %mul3A_204 = arith.constant 64 : i32
      %mul3A_205 = arith.muli %add3A_203, %mul3A_204 : i32
      %dma_start3A_206 = arith.constant 0 : i32
      %dma_start3A_207 = tpu.memref_slice %arg4[%mul3A_205, %dma_start3A_206] : memref<500000x128xf32, #tpu.memory_space<hbm>> -> memref<64x128xf32, #tpu.memory_space<hbm>>
      %dma_start3A_208 = arith.constant 0 : i32
      %dma_start3A_209 = tpu.memref_slice %arg4[%mul3A_205, %dma_start3A_208] : memref<500000x128xf32, #tpu.memory_space<hbm>> -> memref<64x128xf32, #tpu.memory_space<hbm>>
      tpu.enqueue_dma source(%arg7 : memref<64x128xf32, #tpu.memory_space<vmem>>) target(%dma_start3A_209 : memref<64x128xf32, #tpu.memory_space<hbm>>) target_semaphore(%arg12 : memref<!tpu.dma_semaphore, #tpu.memory_space<semaphore_mem>>)
    } else {
    }
    %add3A_164 = arith.constant 7776 : i32
    %add3A_165 = arith.addi %add3A, %add3A_164 : i32
    %mul3A_166 = arith.constant 64 : i32
    %mul3A_167 = arith.muli %add3A_165, %mul3A_166 : i32
    %dma_wait3A_168 = arith.constant 0 : i32
    %dma_wait3A_169 = tpu.memref_slice %arg4[%mul3A_167, %dma_wait3A_168] : memref<500000x128xf32, #tpu.memory_space<hbm>> -> memref<64x128xf32, #tpu.memory_space<hbm>>
    %dma_wait3A_170 = arith.constant 0 : i32
    %dma_wait3A_171 = tpu.memref_slice %arg4[%mul3A_167, %dma_wait3A_170] : memref<500000x128xf32, #tpu.memory_space<hbm>> -> memref<64x128xf32, #tpu.memory_space<hbm>>
    tpu.wait_dma2 semaphore(%arg13 : memref<!tpu.dma_semaphore, #tpu.memory_space<semaphore_mem>>) src(%arg8 : memref<64x128xf32, #tpu.memory_space<vmem>>) dst(%dma_wait3A_171 : memref<64x128xf32, #tpu.memory_space<hbm>>)
    %convert_element_type3A_172 = arith.extui %lt3A_132 : i1 to i32
    %cond3A_173 = arith.constant 0 : i32
    %cond3A_174 = arith.cmpi ne, %convert_element_type3A_172, %cond3A_173 : i32
    scf.if %cond3A_174 {
      %add3A_183 = arith.constant 7808 : i32
      %add3A_184 = arith.addi %add3A, %add3A_183 : i32
      %mul3A_185 = arith.constant 64 : i32
      %mul3A_186 = arith.muli %add3A_184, %mul3A_185 : i32
      %dma_wait3A_187 = arith.constant 0 : i32
      %dma_wait3A_188 = tpu.memref_slice %arg4[%mul3A_186, %dma_wait3A_187] : memref<500000x128xf32, #tpu.memory_space<hbm>> -> memref<64x128xf32, #tpu.memory_space<hbm>>
      %dma_wait3A_189 = arith.constant 0 : i32
      %dma_wait3A_190 = tpu.memref_slice %arg4[%mul3A_186, %dma_wait3A_189] : memref<500000x128xf32, #tpu.memory_space<hbm>> -> memref<64x128xf32, #tpu.memory_space<hbm>>
      tpu.wait_dma2 semaphore(%arg12 : memref<!tpu.dma_semaphore, #tpu.memory_space<semaphore_mem>>) src(%arg7 : memref<64x128xf32, #tpu.memory_space<vmem>>) dst(%dma_wait3A_190 : memref<64x128xf32, #tpu.memory_space<hbm>>)
    } else {
    }
    %not3A = arith.constant true
    %not3A_175 = arith.xori %lt3A_132, %not3A : i1
    %convert_element_type3A_176 = arith.extui %not3A_175 : i1 to i32
    %cond3A_177 = arith.constant 0 : i32
    %cond3A_178 = arith.cmpi ne, %convert_element_type3A_176, %cond3A_177 : i32
    scf.if %cond3A_178 {
      %add3A_183 = arith.constant 7744 : i32
      %add3A_184 = arith.addi %add3A, %add3A_183 : i32
      %mul3A_185 = arith.constant 64 : i32
      %mul3A_186 = arith.muli %add3A_184, %mul3A_185 : i32
      %dma_wait3A_187 = arith.constant 0 : i32
      %dma_wait3A_188 = tpu.memref_slice %arg4[%mul3A_186, %dma_wait3A_187] : memref<500000x128xf32, #tpu.memory_space<hbm>> -> memref<64x128xf32, #tpu.memory_space<hbm>>
      %dma_wait3A_189 = arith.constant 0 : i32
      %dma_wait3A_190 = tpu.memref_slice %arg4[%mul3A_186, %dma_wait3A_189] : memref<500000x128xf32, #tpu.memory_space<hbm>> -> memref<64x128xf32, #tpu.memory_space<hbm>>
      tpu.wait_dma2 semaphore(%arg12 : memref<!tpu.dma_semaphore, #tpu.memory_space<semaphore_mem>>) src(%arg7 : memref<64x128xf32, #tpu.memory_space<vmem>>) dst(%dma_wait3A_190 : memref<64x128xf32, #tpu.memory_space<hbm>>)
    } else {
    }
    %eq3A = arith.constant 0 : i32
    %eq3A_179 = arith.cmpi eq, %add3A, %eq3A : i32
    %convert_element_type3A_180 = arith.extui %eq3A_179 : i1 to i32
    %cond3A_181 = arith.constant 0 : i32
    %cond3A_182 = arith.cmpi ne, %convert_element_type3A_180, %cond3A_181 : i32
    scf.if %cond3A_182 {
      "tpu.region"() ({
        %run_scoped3A = tpu.sem_alloc : memref<!tpu.dma_semaphore, #tpu.memory_space<semaphore_mem>>
        tpu.enqueue_dma source(%arg3 : memref<32x128xf32, #tpu.memory_space<hbm>>) target(%arg9 : memref<32x128xf32, #tpu.memory_space<vmem>>) target_semaphore(%run_scoped3A : memref<!tpu.dma_semaphore, #tpu.memory_space<semaphore_mem>>)
        tpu.wait_dma2 semaphore(%run_scoped3A : memref<!tpu.dma_semaphore, #tpu.memory_space<semaphore_mem>>) src(%arg3 : memref<32x128xf32, #tpu.memory_space<hbm>>) dst(%arg9 : memref<32x128xf32, #tpu.memory_space<vmem>>)
        tpu.yield
      }) : () -> ()
      "tpu.region"() ({
        %run_scoped3A = tpu.sem_alloc : memref<!tpu.dma_semaphore, #tpu.memory_space<semaphore_mem>>
        %dma_start3A_183 = arith.constant 499968 : i32
        %dma_start3A_184 = arith.constant 0 : i32
        %dma_start3A_185 = tpu.memref_slice %arg4[%dma_start3A_183, %dma_start3A_184] : memref<500000x128xf32, #tpu.memory_space<hbm>> -> memref<32x128xf32, #tpu.memory_space<hbm>>
        %dma_start3A_186 = arith.constant 499968 : i32
        %dma_start3A_187 = arith.constant 0 : i32
        %dma_start3A_188 = tpu.memref_slice %arg4[%dma_start3A_186, %dma_start3A_187] : memref<500000x128xf32, #tpu.memory_space<hbm>> -> memref<32x128xf32, #tpu.memory_space<hbm>>
        tpu.enqueue_dma source(%arg9 : memref<32x128xf32, #tpu.memory_space<vmem>>) target(%dma_start3A_188 : memref<32x128xf32, #tpu.memory_space<hbm>>) target_semaphore(%run_scoped3A : memref<!tpu.dma_semaphore, #tpu.memory_space<semaphore_mem>>)
        %dma_wait3A_189 = arith.constant 499968 : i32
        %dma_wait3A_190 = arith.constant 0 : i32
        %dma_wait3A_191 = tpu.memref_slice %arg4[%dma_wait3A_189, %dma_wait3A_190] : memref<500000x128xf32, #tpu.memory_space<hbm>> -> memref<32x128xf32, #tpu.memory_space<hbm>>
        %dma_wait3A_192 = arith.constant 499968 : i32
        %dma_wait3A_193 = arith.constant 0 : i32
        %dma_wait3A_194 = tpu.memref_slice %arg4[%dma_wait3A_192, %dma_wait3A_193] : memref<500000x128xf32, #tpu.memory_space<hbm>> -> memref<32x128xf32, #tpu.memory_space<hbm>>
        tpu.wait_dma2 semaphore(%run_scoped3A : memref<!tpu.dma_semaphore, #tpu.memory_space<semaphore_mem>>) src(%arg9 : memref<32x128xf32, #tpu.memory_space<vmem>>) dst(%dma_wait3A_194 : memref<32x128xf32, #tpu.memory_space<hbm>>)
        tpu.yield
      }) : () -> ()
    } else {
    }
    return
  }
}

</mosaic_0001>

<sc_bundles>
// kernel: kernel.3.cloned.1.call-start
scs
__scs_entry_jumppad:
0x0: {  	(pc) =	sbr.rel $0x88, $3  }
0x1: {  	(tag) =	ssettag $0x0;
	lr =	simm.s32 $0x1  }
0x2: {  	[smem:$0x3FA0] =	sst lr;
	_ =	strace $0xD0000000  }
0x3: {  	_ = 	snop  }
0x4: {  	_ = 	snop  }
0x5: {  	_ = 	snop  }
0x6: {  	_ = 	snop  }
0x7: {  	_ = 	snop  }
__scs_overlays_trampoline_lowered:
0x8: {  	[smem:$0x3FAF] =	sst s0  }
0x9: {  	[smem:$0x3FB0] =	sst s1  }
0xa: {  	[smem:$0x3FB1] =	sst s2  }
0xb: {  	[smem:$0x3FB2] =	sst s3  }
0xc: {  	[smem:$0x3FB3] =	sst s4  }
0xd: {  	[smem:$0x3FB4] =	sst s5  }
0xe: {  	[smem:$0x3FB5] =	sst s6  }
0xf: {  	[smem:$0x3FB6] =	sst s7  }
0x10: {  	[smem:$0x3FB7] =	sst s8  }
0x11: {  	[smem:$0x3FB8] =	sst s9;
	s0 =	simm.s32 @!p0 $0x0  }
0x12: {  	s1 =	sld [smem:$0x3F9E];
	s0 =	simm.s32 @p0 $0x1  }
0x13: {  	[smem:$0x3FB9] =	sst s0;
	s0 =	simm.s32 @!p1 $0x0  }
0x14: {  	s2 =	sld [smem:$0x3F9D];
	s0 =	simm.s32 @p1 $0x1  }
0x15: {  	[smem:$0x3FBA] =	sst s0;
	s0 =	simm.s32 @!p2 $0x0  }
0x16: {  	s3 =	sld [smem:$0x3FDB];
	s0 =	simm.s32 @p2 $0x1  }
0x17: {  	s4 =	simm.s32 $0x1BF5;
	[smem:$0x3FBC] =	sst s0  }
0x18: {  	s0 =	sld [smem:$0x3F9F];
	_ =	swait.ge [sflag:s4], $0x0  }
0x19: {  	s7 =	sld [smem:$0x3FA0]  }
0x1a: {  	s8 =	sadd.s32 $0xFFFFE003, lr  }
0x1b: {  	s9 =	sadd.s32 $0xFFFFFEF7, lr;
	s5 =	simm.s32 $0xFFFFFFFF;
	p2 =	slt.u32 s8, $0xFFFFF086  }
0x1c: {  	p1 =	slt.u32 s9, $0xF7A;
	s5 =	simm.s32 @!p2 $0x0  }
0x1d: {  	s5 =	simm.s32 @p1 $0x1;
	p0 =	seq.s32 s7, s2  }
0x1e: {  	s7 =	smul.u32 @!p0 $0xF7A, s2;
	p2 =	seq.s32 @!p0 s5, $0x0  }
0x1f: {  	s9 =	smul.u32 $0xF7A, s1;
	s8 =	simm.s32 @!p0 $0x1BF5;
	p2 =	por !p2, p0  }
0x20: {  	[sflag:s8] =	ssyncset.s32 @!p0 $0xFFFFF086;
	s6 =	sadd.s32 @!p0 s3, s7;
	s7 =	simm.s32 @!p0 $0x108  }
0x21: {  	s3 =	sadd.s32 s3, s9;
	s6 =	sadd.s32 @!p0 $0x88, s6;
	s7 =	simm.s32 @p2 $0x1082  }
0x22: {  	[simem:s7], [sflag:s8] =	dma.local @!p0 [hbm:s6], $0xF7A  }
0x23: {  	s9 =	sor.u32 $0xD0000000, s2;
	s6 =	simm.s32 $0x108;
	_ =	swait.ge @!p0 [sflag:s8], $0x0  }
0x24: {  	s3 =	sadd.s32 $0x88, s3;
	s6 =	simm.s32 @!p1 $0x1082;
	[sflag:s4] =	ssyncset.s32 $0xFFFFF086  }
0x25: {  	[simem:s6], [sflag:s4] =	dma.local [hbm:s3], $0xF7A  }
0x26: {  	[smem:$0x3FA0] =	sst s1;
	(tag) =	ssettag s2;
	_ =	strace s9  }
0x27: {  	s1 =	sld [smem:$0x3FB0]  }
0x28: {  	s2 =	sld [smem:$0x3FB1]  }
0x29: {  	s4 =	sld [smem:$0x3FB3]  }
0x2a: {  	p0 =	seq.s32 s5, $0x0;
	s5 =	sld [smem:$0x3FB4]  }
0x2b: {  	s6 =	sld [smem:$0x3FB5]  }
0x2c: {  	s7 =	sld [smem:$0x3FB6]  }
0x2d: {  	s3 =	simm.s32 $0x108;
	s8 =	sld [smem:$0x3FB7]  }
0x2e: {  	s3 =	simm.s32 @!p0 $0x1082;
	s9 =	sld [smem:$0x3FB8]  }
0x2f: {  	lr =	sadd.s32 s0, s3;
	s0 =	sld [smem:$0x3FAF]  }
0x30: {  	s3 =	sld [smem:$0x3FB2]  }
0x31: {  	[smem:$0x3FBB] =	sst s10  }
0x32: {  	s10 =	sld [smem:$0x3FB9];
	_ =	sdelay $0x3  }
0x33: {  	p0 =	seq.s32 s10, $0x1;
	s10 =	sld [smem:$0x3FBB];
	_ =	sdelay $0x3  }
0x34: {  	[smem:$0x3FBB] =	sst s10  }
0x35: {  	s10 =	sld [smem:$0x3FBA];
	_ =	sdelay $0x3  }
0x36: {  	p1 =	seq.s32 s10, $0x1;
	s10 =	sld [smem:$0x3FBB];
	_ =	sdelay $0x3  }
0x37: {  	[smem:$0x3FBB] =	sst s10  }
0x38: {  	s10 =	sld [smem:$0x3FBC]  }
0x39: {  	_ = 	snop;
	(pc) =	sbr.ind lr, $3  }
0x3a: {  	_ = 	snop  }
0x3b: {  	_ = 	snop  }
0x3c: {  	p2 =	seq.s32 s10, $0x1;
	s10 =	sld [smem:$0x3FBB]  }
0x3d: {  	_ =	shalt  }
0x3e: {  	_ =	shalt  }
0x3f: {  	_ =	shalt  }
0x40: {  	_ =	shalt  }
0x41: {  	_ =	shalt  }
0x42: {  	_ =	shalt  }
0x43: {  	_ =	shalt  }
0x44: {  	_ =	shalt  }
0x45: {  	_ =	shalt  }
0x46: {  	_ =	shalt  }
0x47: {  	_ =	shalt  }
0x48: {  	_ =	shalt  }
0x49: {  	_ =	shalt  }
0x4a: {  	_ =	shalt  }
0x4b: {  	_ =	shalt  }
0x4c: {  	_ =	shalt  }
0x4d: {  	_ =	shalt  }
0x4e: {  	_ =	shalt  }
0x4f: {  	_ =	shalt  }
0x50: {  	_ =	shalt  }
0x51: {  	_ =	shalt  }
0x52: {  	_ =	shalt  }
0x53: {  	_ =	shalt  }
0x54: {  	_ =	shalt  }
0x55: {  	_ =	shalt  }
0x56: {  	_ =	shalt  }
0x57: {  	_ =	shalt  }
0x58: {  	_ =	shalt  }
0x59: {  	_ =	shalt  }
0x5a: {  	_ =	shalt  }
0x5b: {  	_ =	shalt  }
0x5c: {  	_ =	shalt  }
0x5d: {  	_ =	shalt  }
0x5e: {  	_ =	shalt  }
0x5f: {  	_ =	shalt  }
0x60: {  	_ =	shalt  }
0x61: {  	_ =	shalt  }
0x62: {  	_ =	shalt  }
0x63: {  	_ =	shalt  }
0x64: {  	_ =	shalt  }
0x65: {  	_ =	shalt  }
0x66: {  	_ =	shalt  }
0x67: {  	_ =	shalt  }
0x68: {  	_ =	shalt  }
0x69: {  	_ =	shalt  }
0x6a: {  	_ =	shalt  }
0x6b: {  	_ =	shalt  }
0x6c: {  	_ =	shalt  }
0x6d: {  	_ =	shalt  }
0x6e: {  	_ =	shalt  }
0x6f: {  	_ =	shalt  }
0x70: {  	_ =	shalt  }
0x71: {  	_ =	shalt  }
0x72: {  	_ =	shalt  }
0x73: {  	_ =	shalt  }
0x74: {  	_ =	shalt  }
0x75: {  	_ =	shalt  }
0x76: {  	_ =	shalt  }
0x77: {  	_ =	shalt  }
0x78: {  	_ =	shalt  }
0x79: {  	_ =	shalt  }
0x7a: {  	_ =	shalt  }
0x7b: {  	_ =	shalt  }
0x7c: {  	_ =	shalt  }
0x7d: {  	_ =	shalt  }
0x7e: {  	_ =	shalt  }
0x7f: {  	_ =	shalt  }
0x80: {  	_ =	shalt  }
0x81: {  	_ =	shalt  }
0x82: {  	_ =	shalt  }
0x83: {  	_ =	shalt  }
0x84: {  	_ =	shalt  }
0x85: {  	_ =	shalt  }
0x86: {  	_ =	shalt  }
0x87: {  	_ =	shalt  }
.Lfunc_end0:
.L_simem_size_0:
called_computation.1_lowered:
.L_overlay_start_0:
0x88: {  	s2 =	sld [smem:$0x3FD9]  }
0x89: {  	s3 =	sld [smem:$0x3FFE];
	_ =	sdelay $0x1  }
0x8a: {  	s1 =	srdreg.scid  }
0x8b: {  	s0 =	sand.u32 $0x1, s1  }
0x8c: {  	s17 =	sshll.u32 s0, $0xA;
	s2 =	sadd.s32 s3, s2  }
0x8d: {  	s2 =	sadd.s32 s2, s17  }
0x8e: {  	[smem:$0x3FC7] =	sst s2  }
0x8f: {  	_ = 	snop  }
0x90: {  	s2 =	sld [smem:$0x3FC9]  }
0x91: {  	s18 =	sld [smem:$0x3FD0];
	(tm) =	ssettm $0x1  }
0x92: {  	s4 =	sld [smem:$0x3FFB];
	_ =	sdelay $0x3  }
0x93: {  	_ =	strace s4  }
0x94: {  	s4 =	sld [smem:$0x3FFC];
	_ =	sdelay $0x3  }
0x95: {  	_ =	strace s4  }
0x96: {  	s4 =	sld [smem:$0x3FFD];
	_ =	sdelay $0x3  }
0x97: {  	_ =	strace s4  }
0x98: {  	_ =	strace $0x8FFFFFFF  }
0x99: {  	s19 =	sld [smem:$0x3FDB];
	_ =	sdelay $0x1  }
0x9a: {  	s5 =	simm.s32 $_scs_section_size  }
0x9b: {  	s6 =	simm.s32 $_size__tile_overlayer_lowered;
	s7 =	simm.s32 $_tile_overlayer_lowered  }
0x9c: {  	s22 =	simm.s32 $0x1BFF;
	s21 =	sshll.u32 s7, $0x1;
	s4 =	sadd.s32 s5, s19  }
0x9d: {  	s8 =	simm.s32 $0x0;
	s20 =	sshll.u32 s6, $0x1;
	s6 =	sadd.s32 s21, s4  }
0x9e: {  	[timem:s8], [sflag:s22] =	dma.local [hbm:s6], s20  }
0x9f: {  	_ =	swait.ge [sflag:s22], s20  }
0xa0: {  	s5 =	ssub.s32 $0x0, s20;
	[sflag:s22] =	ssyncset.done $0x0  }
0xa1: {  	[sflag:s22] =	ssyncadd.s32 s5;
	_ =	sdelay $0x1  }
0xa2: {  	s23 =	simm.s32 $0x1B8B  }
0xa3: {  	_ =	swait.ge [sflag:s23], $0x1  }
0xa4: {  	[sflag:s23] =	ssyncset.done $0x0  }
0xa5: {  	s25 =	simm.s32 $0x1B8E;
	s24 =	sld [smem:$0x3FFE];
	[sflag:s23] =	ssyncadd.s32 $0xFFFFFFFF  }
0xa6: {  	s26 =	simm.s32 $execute0_lowered;
	[smem:$0x3FD2] =	sst s25  }
0xa7: {  	s6 =	sshll.u32 s26, $0x1;
	_ =	strace $0x80000046;
	[dreg:$0x1] =	wrdreg $0xFFFFFFFF  }
0xa8: {  	s28 =	simm.s32 $_size_execute0_lowered;
	s4 =	sadd.s32 s4, s6;
	[dreg:$0x0] =	wrdreg $0x0  }
0xa9: {  	s6 =	sshll.u32 s28, $0x1;
	[dreg:$0x2] =	wrdreg s4  }
0xaa: {  	[dreg:$0x3] =	wrdreg s6  }
0xab: {  	[dreg:$0x4] =	wrdreg $0xC0  }
0xac: {  	_ =	task [dreg:s8], $0x5FFFF  }
0xad: {  	[dreg:$0x1] =	wrdreg $0xFFFFFFFF  }
0xae: {  	[dreg:$0x0] =	wrdreg $0x60  }
0xaf: {  	[dreg:$0x2] =	wrdreg s2  }
0xb0: {  	[dreg:$0x3] =	wrdreg s18  }
0xb1: {  	[dreg:$0x4] =	wrdreg s24  }
0xb2: {  	[dreg:$0x5] =	wrdreg $0x9  }
0xb3: {  	_ =	task.clear_ibuf [dreg:s8], $0x6FFFF;
	_ =	strace $0x90000046  }
0xb4: {  	s29 =	simm.s32 $0x9;
	_ =	strace $0x80000048  }
0xb5: {  	_ =	swait.ge [sflag:s29], $0x1  }
0xb6: {  	[sflag:s29] =	ssyncadd.s32 $0xFFFFFFFF  }
0xb7: {  	_ =	strace $0x90000048  }
0xb8: {  	_ =	sfence  }
0xb9: {  	s30 =	sld [smem:$0x0];
	_ =	sdelay $0x2  }
0xba: {  	s31 =	sshll.u32 s1, $0xD;
	s1 =	sshrl.u32 s1, $0x2  }
0xbb: {  	s3 =	sand.u32 $0x4000, s31;
	s1 =	sadd.s32 s1, s30  }
0xbc: {  	s0 =	sor.u32 s3, s0;
	s1 =	sshll.u32 s1, $0x11  }
0xbd: {  	s0 =	sor.u32 s1, s0  }
0xbe: {  	s0 =	sadd.s32 $0x8F2B, s0  }
0xbf: {  	[sflag:s0] =	ssyncadd.remote.s32 $0x1  }
0xc0: {  	_ =	sfence.sel $0xFFFF  }
0xc1: {  	[dreg:$0x0] =	wrdreg $0xFFFFFFFF;
	(pc) =	sbr.abs _section_cstart, $3  }
0xc2: {  	[dreg:$0x1] =	wrdreg $0xFFFFFFFF  }
0xc3: {  	_ =	task.clear_ibuf [dreg:s8], $0x2FFFF;
	_ =	strace $0x9FFFFFFF  }
0xc4: {  	(tm) =	ssettm $0x7FFFFFFF  }
0xc5: {  	_ =	shalt  }
tec
execute0_lowered:
.L_overlay_start_1:
0x0: {  	(tag) =	ssettag $0x1  }
0x1: {  	s1 =	rddreg [dreg:$0x0]  }
0x2: {  	s0 =	rddreg [dreg:$0x2]  }
0x3: {  	s4 =	simm.s32 $0x0;
	s2 =	srdreg.scid;
	s8 =	stileid.u32  }
0x4: {  	s17 =	simm.s32 $0x400;
	s18 =	simm.s32 $0x7A1400;
	s19 =	simm.s32 $0x2000  }
0x5: {  	s20 =	simm.s32 $0x1;
	s21 =	simm.s32 $0x4000;
	s22 =	simm.s32 $0x2  }
0x6: {  	s23 =	simm.s32 $0x6000;
	s24 =	simm.s32 $0x3;
	s28 =	simm.s32 $0x0  }
0x7: {  	[smem:$0x7FF] =	sst s4;
	s2 =	sand.u32 $0x1, s2;
	s3 =	sshll.u32 s8, $0x1  }
0x8: {  	s6 =	sadd.s32 $0x800, s0;
	s0 =	sadd.s32 $0x7A1800, s0;
	s5 =	sor.u32 s2, s3  }
0x9: {  	_ =	strace $0x80000047;
	s7 =	ssub.s32 $0x2, s2;
	s3 =	sshll.u32 s5, $0x7  }
0xa: {  	[dreg:$0xa] =	wrdreg s0;
	s29 =	sshll.u32 s5, $0xA;
	s26 =	sadd.s32 s1, s3  }
0xb: {  	s25 =	sshrl.u32 s7, $0x1;
	s3 =	sadd.s32 s6, s29;
	[dreg:$0x4] =	wrdreg s26  }
0xc: {  	v0 =	vlaneseq.u32;
	s2 =	ssub.s32 s7, s25;
	s9 =	sadd.s32 $0x1000, s26;
	[dreg:$0x6] =	wrdreg s3  }
.Ltmp0:
0xd: {  	v0 =	vmul.u32 $0x40, v0;
	s7 =	sadd.s32 $0xF4000, s26;
	[dreg:$0x5] =	wrdreg s9;
	(pc) =	sbr.rel .LBB2_1-.Ltmp0, $4  }
0xe: {  	p0 =	sgt.u32 s8, $0x1;
	s30 =	sadd.s32 $0x798000, s3;
	[dreg:$0x7] =	wrdreg s7  }
0xf: {  	s10 =	sor.u32 $0x40, s5;
	v1 =	vor.u32 $0x400, v0;
	s3 =	sadd.s32 $0x7A0000, s3;
	[dreg:$0x8] =	wrdreg s30  }
0x10: {  	s11 =	sor.u32 $0x60, s5;
	v2 =	vor.u32 $0x800, v0;
	v3 =	vor.u32 $0xC00, v0;
	v4 =	vor.u32 $0x1000, v0;
	s31 =	smax.u32 s2, $0x1;
	[dreg:$0x9] =	wrdreg s3  }
0x11: {  	v5 =	vor.u32 $0x1400, v0;
	v6 =	vor.u32 $0x1800, v0;
	v7 =	vor.u32 $0x1C00, v0;
	p1 =	sne.s32 s5, $0x0;
	s26 =	simm.s32 $0x0;
	[dreg:$0xb] =	wrdreg s31  }
.LBB2_15:
0x12: {  	_ =	swait.ge [sflag:s25], $0x2000  }
0x13: {  	[sflag:s25] =	ssyncset.done $0x0  }
0x14: {  	[sflag:s25] =	ssyncadd.s32 $0xFFFFE000  }
0x15: {  	_ =	swait.ge [sflag:s24], $0x2000  }
0x16: {  	[sflag:s24] =	ssyncset.done $0x0  }
0x17: {  	[sflag:s24] =	ssyncadd.s32 $0xFFFFE000  }
0x18: {  	s0 =	simm.s32 @!p1 $0x0;
	s2 =	simm.s32 @!p1 $0x8000;
	s3 =	rddreg [dreg:$0x1]  }
0x19: {  	[tilespmem:s2], [sflag:$0x5] =	stream.linear.gather @!p1 [hbm4b:s3+s0], $0x1000, $0x38;
	[tilespmem:$0x9000] =	vst v63  }
0x1a: {  	s3 =	simm.s32 @!p1 $0x5  }
0x1b: {  	_ =	swait.ge @!p1 [sflag:s3], $0x1000  }
0x1c: {  	[sflag:s3] =	ssyncset.done @!p1 $0x0  }
0x1d: {  	s7 =	rddreg [dreg:$0xa];
	[sflag:s3] =	ssyncadd.s32 @!p1 $0xFFFFF000  }
0x1e: {  	[hbm4b:s7+s0] =	stream.linear.scatter @!p1 [tilespmem:s2], [sflag:$0x5], $0x1000, $0x38;
	[tilespmem:$0x9000] =	vst v63  }
0x1f: {  	_ =	swait.ge @!p1 [sflag:s3], $0x1000  }
0x20: {  	s26 =	sadd.s32 $0x1, s26;
	s31 =	rddreg [dreg:$0xb]  }
0x21: {  	p2 =	sne.s32 s26, s31  }
.Ltmp1:
0x22: {  	_ = 	snop;
	(pc) =	sbr.rel @!p2 .LBB2_16-.Ltmp1, $3  }
0x23: {  	_ =	sdelay $0x1  }
0x24: {  	[sflag:s3] =	ssyncset.done @!p1 $0x0  }
0x25: {  	[sflag:s3] =	ssyncadd.s32 @!p1 $0xFFFFF000  }
.LBB2_1:
0x26: {  	s0 =	rddreg [dreg:$0x4]  }
0x27: {  	[tilespmem:s4], [sflag:$0x1] =	stream.strided.gather [hbm4b:s0+s17], $0x2000, s18, s17, $0x38;
	[tilespmem:$0x9000] =	vst v63  }
0x28: {  	s31 =	rddreg [dreg:$0x5]  }
0x29: {  	[tilespmem:s19], [sflag:$0x2] =	stream.strided.gather [hbm4b:s31+s17], $0x2000, s18, s17, $0x38;
	[tilespmem:$0x9000] =	vst v63  }
0x2a: {  	_ =	swait.ge [sflag:s20], $0x2000  }
0x2b: {  	[sflag:s20] =	ssyncset.done $0x0  }
0x2c: {  	s12 =	simm.s32 $0x100;
	s9 =	simm.s32 $0x3;
	[sflag:s20] =	ssyncadd.s32 $0xFFFFE000  }
0x2d: {  	s13 =	simm.s32 $0x2;
	v9 =	vor.u32 s9, v0;
	v8 =	vld [tilespmem:s12+$0x80]  }
0x2e: {  	s7 =	simm.s32 $0x1;
	v13 =	vor.u32 s13, v0;
	v12 =	vld [tilespmem:s12+$0x0]  }
0x2f: {  	v11 =	vor.u32 s7, v0;
	v10 =	vld [tilespmem:s12+$0xFFFFFF80];
	_ =	sdelay $0x2  }
0x30: {  	v15 =	vor.u32 s4, v0;
	v14 =	vld [tilespmem:s12+$0xFFFFFF00];
	[tilespmem:v9+s21+$0x0] =	vst.idx.msk $0xffff, v8  }
0x31: {  	v9 =	vor.u32 s9, v1;
	[tilespmem:v13+s21+$0x0] =	vst.idx.msk $0xffff, v12;
	v8 =	vld [tilespmem:s12+$0x90]  }
0x32: {  	[tilespmem:v11+s21+$0x0] =	vst.idx.msk $0xffff, v10;
	v13 =	vor.u32 s13, v1;
	v12 =	vld [tilespmem:s12+$0x10]  }
0x33: {  	v11 =	vor.u32 s7, v1;
	v10 =	vld [tilespmem:s12+$0xFFFFFF90];
	_ =	sdelay $0x1  }
0x34: {  	[tilespmem:v15+s21+$0x0] =	vst.idx.msk $0xffff, v14  }
0x35: {  	v15 =	vor.u32 s4, v1;
	v14 =	vld [tilespmem:s12+$0xFFFFFF10];
	[tilespmem:v9+s21+$0x0] =	vst.idx.msk $0xffff, v8  }
0x36: {  	v9 =	vor.u32 s9, v2;
	[tilespmem:v13+s21+$0x0] =	vst.idx.msk $0xffff, v12;
	v8 =	vld [tilespmem:s12+$0xA0]  }
0x37: {  	[tilespmem:v11+s21+$0x0] =	vst.idx.msk $0xffff, v10;
	v13 =	vor.u32 s13, v2;
	v12 =	vld [tilespmem:s12+$0x20]  }
0x38: {  	v11 =	vor.u32 s7, v2;
	v10 =	vld [tilespmem:s12+$0xFFFFFFA0];
	_ =	sdelay $0x1  }
0x39: {  	[tilespmem:v15+s21+$0x0] =	vst.idx.msk $0xffff, v14  }
0x3a: {  	v15 =	vor.u32 s4, v2;
	v14 =	vld [tilespmem:s12+$0xFFFFFF20];
	[tilespmem:v9+s21+$0x0] =	vst.idx.msk $0xffff, v8  }
0x3b: {  	v9 =	vor.u32 s9, v3;
	[tilespmem:v13+s21+$0x0] =	vst.idx.msk $0xffff, v12;
	v8 =	vld [tilespmem:s12+$0xB0]  }
0x3c: {  	[tilespmem:v11+s21+$0x0] =	vst.idx.msk $0xffff, v10;
	v13 =	vor.u32 s13, v3;
	v12 =	vld [tilespmem:s12+$0x30]  }
0x3d: {  	v11 =	vor.u32 s7, v3;
	v10 =	vld [tilespmem:s12+$0xFFFFFFB0];
	_ =	sdelay $0x1  }
0x3e: {  	[tilespmem:v15+s21+$0x0] =	vst.idx.msk $0xffff, v14  }
0x3f: {  	v15 =	vor.u32 s4, v3;
	v14 =	vld [tilespmem:s12+$0xFFFFFF30];
	[tilespmem:v9+s21+$0x0] =	vst.idx.msk $0xffff, v8  }
0x40: {  	v9 =	vor.u32 s9, v4;
	[tilespmem:v13+s21+$0x0] =	vst.idx.msk $0xffff, v12;
	v8 =	vld [tilespmem:s12+$0xC0]  }
0x41: {  	[tilespmem:v11+s21+$0x0] =	vst.idx.msk $0xffff, v10;
	v13 =	vor.u32 s13, v4;
	v12 =	vld [tilespmem:s12+$0x40]  }
0x42: {  	v11 =	vor.u32 s7, v4;
	v10 =	vld [tilespmem:s12+$0xFFFFFFC0]  }
0x43: {  	s8 =	simm.s32 $0x7;
	s0 =	simm.s32 $0x300  }
0x44: {  	v17 =	vor.u32 s8, v0;
	v16 =	vld [tilespmem:s0+$0x80];
	[tilespmem:v15+s21+$0x0] =	vst.idx.msk $0xffff, v14  }
0x45: {  	s14 =	simm.s32 $0x5;
	v15 =	vor.u32 s4, v4;
	v14 =	vld [tilespmem:s12+$0xFFFFFF40];
	[tilespmem:v9+s21+$0x0] =	vst.idx.msk $0xffff, v8  }
0x46: {  	[tilespmem:v13+s21+$0x0] =	vst.idx.msk $0xffff, v12;
	v12 =	vld [tilespmem:s0+$0xFFFFFF80];
	v13 =	vor.u32 s14, v0  }
0x47: {  	[tilespmem:v11+s21+$0x0] =	vst.idx.msk $0xffff, v10;
	v9 =	vor.u32 s9, v5;
	v8 =	vld [tilespmem:s12+$0xD0]  }
0x48: {  	v11 =	vor.u32 s7, v5;
	v10 =	vld [tilespmem:s12+$0xFFFFFFD0]  }
0x49: {  	s2 =	simm.s32 $0x6;
	[tilespmem:v17+s21+$0x0] =	vst.idx.msk $0xffff, v16  }
0x4a: {  	s3 =	simm.s32 $0x4;
	[tilespmem:v15+s21+$0x0] =	vst.idx.msk $0xffff, v14;
	v14 =	vld [tilespmem:s0+$0x0];
	v15 =	vor.u32 s2, v0  }
0x4b: {  	v19 =	vor.u32 s3, v0;
	v18 =	vld [tilespmem:s0+$0xFFFFFF00];
	[tilespmem:v13+s21+$0x0] =	vst.idx.msk $0xffff, v12  }
0x4c: {  	v12 =	vld [tilespmem:s0+$0x90];
	v13 =	vor.u32 s8, v1;
	[tilespmem:v9+s21+$0x0] =	vst.idx.msk $0xffff, v8  }
0x4d: {  	[tilespmem:v11+s21+$0x0] =	vst.idx.msk $0xffff, v10;
	v10 =	vld [tilespmem:s12+$0x50];
	v11 =	vor.u32 s13, v5  }
0x4e: {  	v9 =	vor.u32 s9, v6;
	v8 =	vld [tilespmem:s12+$0xE0]  }
0x4f: {  	v17 =	vor.u32 s14, v1;
	[tilespmem:v15+s21+$0x0] =	vst.idx.msk $0xffff, v14;
	v16 =	vld [tilespmem:s0+$0xFFFFFF90]  }
0x50: {  	[tilespmem:v19+s21+$0x0] =	vst.idx.msk $0xffff, v18;
	v15 =	vor.u32 s2, v1;
	v14 =	vld [tilespmem:s0+$0x10]  }
0x51: {  	v19 =	vor.u32 s3, v1;
	v18 =	vld [tilespmem:s0+$0xFFFFFF10];
	[tilespmem:v13+s21+$0x0] =	vst.idx.msk $0xffff, v12  }
0x52: {  	v13 =	vor.u32 s8, v2;
	[tilespmem:v11+s21+$0x0] =	vst.idx.msk $0xffff, v10;
	v12 =	vld [tilespmem:s0+$0xA0]  }
0x53: {  	v10 =	vld [tilespmem:s12+$0xFFFFFF50];
	v11 =	vor.u32 s4, v5;
	[tilespmem:v9+s21+$0x0] =	vst.idx.msk $0xffff, v8  }
0x54: {  	[tilespmem:v17+s21+$0x0] =	vst.idx.msk $0xffff, v16;
	v9 =	vor.u32 s9, v7;
	v8 =	vld [tilespmem:s12+$0xF0]  }
0x55: {  	v17 =	vor.u32 s14, v2;
	[tilespmem:v15+s21+$0x0] =	vst.idx.msk $0xffff, v14;
	v16 =	vld [tilespmem:s0+$0xFFFFFFA0]  }
0x56: {  	[tilespmem:v19+s21+$0x0] =	vst.idx.msk $0xffff, v18;
	v15 =	vor.u32 s2, v2;
	v14 =	vld [tilespmem:s0+$0x20]  }
0x57: {  	v19 =	vor.u32 s3, v2;
	v18 =	vld [tilespmem:s0+$0xFFFFFF20];
	[tilespmem:v13+s21+$0x0] =	vst.idx.msk $0xffff, v12  }
0x58: {  	[tilespmem:v11+s21+$0x0] =	vst.idx.msk $0xffff, v10;
	v13 =	vor.u32 s8, v3;
	v12 =	vld [tilespmem:s0+$0xB0]  }
0x59: {  	[tilespmem:v9+s21+$0x0] =	vst.idx.msk $0xffff, v8;
	v8 =	vld [tilespmem:s12+$0xFFFFFFE0];
	v9 =	vor.u32 s7, v6  }
0x5a: {  	v10 =	vld [tilespmem:s12+$0x60];
	v11 =	vor.u32 s13, v6;
	[tilespmem:v17+s21+$0x0] =	vst.idx.msk $0xffff, v16  }
0x5b: {  	v17 =	vor.u32 s14, v3;
	[tilespmem:v15+s21+$0x0] =	vst.idx.msk $0xffff, v14;
	v16 =	vld [tilespmem:s0+$0xFFFFFFB0]  }
0x5c: {  	[tilespmem:v19+s21+$0x0] =	vst.idx.msk $0xffff, v18;
	v15 =	vor.u32 s2, v3;
	v14 =	vld [tilespmem:s0+$0x30]  }
0x5d: {  	v19 =	vor.u32 s3, v3;
	v18 =	vld [tilespmem:s0+$0xFFFFFF30];
	[tilespmem:v13+s21+$0x0] =	vst.idx.msk $0xffff, v12  }
0x5e: {  	[tilespmem:v9+s21+$0x0] =	vst.idx.msk $0xffff, v8;
	v8 =	vld [tilespmem:s12+$0xFFFFFF60];
	v9 =	vor.u32 s4, v6  }
0x5f: {  	[tilespmem:v11+s21+$0x0] =	vst.idx.msk $0xffff, v10;
	v13 =	vor.u32 s8, v4;
	v12 =	vld [tilespmem:s0+$0xC0]  }
0x60: {  	v11 =	vor.u32 s7, v7;
	[tilespmem:v17+s21+$0x0] =	vst.idx.msk $0xffff, v16;
	v10 =	vld [tilespmem:s12+$0xFFFFFFF0]  }
0x61: {  	v21 =	vor.u32 s14, v4;
	[tilespmem:v15+s21+$0x0] =	vst.idx.msk $0xffff, v14;
	v20 =	vld [tilespmem:s0+$0xFFFFFFC0]  }
0x62: {  	[tilespmem:v19+s21+$0x0] =	vst.idx.msk $0xffff, v18;
	v19 =	vor.u32 s2, v4;
	v18 =	vld [tilespmem:s0+$0x40]  }
0x63: {  	v16 =	vld [tilespmem:s0+$0xFFFFFF40];
	v17 =	vor.u32 s3, v4;
	[tilespmem:v9+s21+$0x0] =	vst.idx.msk $0xffff, v8  }
0x64: {  	v15 =	vor.u32 s13, v7;
	v9 =	vld [tilespmem:s12+$0x70];
	[tilespmem:v13+s21+$0x0] =	vst.idx.msk $0xffff, v12  }
0x65: {  	v14 =	vor.u32 s4, v7;
	[tilespmem:v11+s21+$0x0] =	vst.idx.msk $0xffff, v10;
	v11 =	vld [tilespmem:s12+$0xFFFFFF70]  }
0x66: {  	s15 =	simm.s32 $0xB;
	[tilespmem:v21+s21+$0x0] =	vst.idx.msk $0xffff, v20;
	v8 =	vld [tilespmem:s0+$0xD0];
	v10 =	vor.u32 s8, v5  }
0x67: {  	s16 =	simm.s32 $0xC;
	s13 =	simm.s32 $0x500;
	v13 =	vor.u32 s14, v5;
	s12 =	simm.s32 $0x8;
	[tilespmem:v19+s21+$0x0] =	vst.idx.msk $0xffff, v18;
	v12 =	vld [tilespmem:s0+$0xFFFFFFD0]  }
.LBB2_2:
0x68: {  	p2 =	slt.u32 s16, $0x3C;
	s9 =	sadd.s32 $0x1, s12;
	v18 =	vld [tilespmem:s13+$0x80];
	v19 =	vor.u32 s15, v0;
	[tilespmem:v17+s21+$0x0] =	vst.idx.msk $0xffff, v16  }
0x69: {  	s7 =	sadd.s32 $0x2, s12;
	v16 =	vld [tilespmem:s13+$0xFFFFFF80];
	v17 =	vor.u32 s9, v0;
	[tilespmem:v15+s21+$0x0] =	vst.idx.msk $0xffff, v9  }
0x6a: {  	v15 =	vor.u32 s7, v0;
	v9 =	vld [tilespmem:s13+$0x0];
	[tilespmem:v14+s21+$0x0] =	vst.idx.msk $0xffff, v11  }
0x6b: {  	v14 =	vor.u32 s12, v0;
	v11 =	vld [tilespmem:s13+$0xFFFFFF00];
	[tilespmem:v10+s21+$0x0] =	vst.idx.msk $0xffff, v8  }
0x6c: {  	v10 =	vor.u32 s8, v6;
	[tilespmem:v13+s21+$0x0] =	vst.idx.msk $0xffff, v12;
	v8 =	vld [tilespmem:s0+$0xE0]  }
0x6d: {  	v13 =	vor.u32 s2, v5;
	[tilespmem:v19+s21+$0x0] =	vst.idx.msk $0xffff, v18;
	v12 =	vld [tilespmem:s0+$0x50]  }
0x6e: {  	[tilespmem:v17+s21+$0x0] =	vst.idx.msk $0xffff, v16;
	v16 =	vld [tilespmem:s13+$0x90];
	v17 =	vor.u32 s15, v1  }
0x6f: {  	v19 =	vor.u32 s9, v1;
	v18 =	vld [tilespmem:s13+$0xFFFFFF90];
	[tilespmem:v15+s21+$0x0] =	vst.idx.msk $0xffff, v9  }
0x70: {  	[tilespmem:v14+s21+$0x0] =	vst.idx.msk $0xffff, v11;
	v9 =	vld [tilespmem:s13+$0x10];
	v11 =	vor.u32 s7, v1  }
0x71: {  	v15 =	vor.u32 s12, v1;
	v14 =	vld [tilespmem:s13+$0xFFFFFF10];
	[tilespmem:v10+s21+$0x0] =	vst.idx.msk $0xffff, v8  }
0x72: {  	v10 =	vor.u32 s8, v7;
	s8 =	smov.u32 s15;
	[tilespmem:v13+s21+$0x0] =	vst.idx.msk $0xffff, v12;
	v8 =	vld [tilespmem:s0+$0xF0]  }
0x73: {  	v13 =	vor.u32 s3, v5;
	[tilespmem:v17+s21+$0x0] =	vst.idx.msk $0xffff, v16;
	v12 =	vld [tilespmem:s0+$0xFFFFFF50]  }
0x74: {  	v17 =	vor.u32 s8, v2;
	[tilespmem:v19+s21+$0x0] =	vst.idx.msk $0xffff, v18;
	v16 =	vld [tilespmem:s13+$0xA0]  }
0x75: {  	v19 =	vor.u32 s9, v2;
	v18 =	vld [tilespmem:s13+$0xFFFFFFA0];
	[tilespmem:v11+s21+$0x0] =	vst.idx.msk $0xffff, v9  }
0x76: {  	v11 =	vor.u32 s7, v2;
	[tilespmem:v15+s21+$0x0] =	vst.idx.msk $0xffff, v14;
	v9 =	vld [tilespmem:s13+$0x20]  }
0x77: {  	v15 =	vor.u32 s12, v2;
	v14 =	vld [tilespmem:s13+$0xFFFFFF20];
	[tilespmem:v10+s21+$0x0] =	vst.idx.msk $0xffff, v8  }
0x78: {  	v10 =	vor.u32 s14, v6;
	[tilespmem:v13+s21+$0x0] =	vst.idx.msk $0xffff, v12;
	v8 =	vld [tilespmem:s0+$0xFFFFFFE0]  }
0x79: {  	v13 =	vor.u32 s2, v6;
	[tilespmem:v17+s21+$0x0] =	vst.idx.msk $0xffff, v16;
	v12 =	vld [tilespmem:s0+$0x60]  }
0x7a: {  	v17 =	vor.u32 s8, v3;
	[tilespmem:v19+s21+$0x0] =	vst.idx.msk $0xffff, v18;
	v16 =	vld [tilespmem:s13+$0xB0]  }
0x7b: {  	v19 =	vor.u32 s9, v3;
	v18 =	vld [tilespmem:s13+$0xFFFFFFB0];
	[tilespmem:v11+s21+$0x0] =	vst.idx.msk $0xffff, v9  }
0x7c: {  	v11 =	vor.u32 s7, v3;
	[tilespmem:v15+s21+$0x0] =	vst.idx.msk $0xffff, v14;
	v9 =	vld [tilespmem:s13+$0x30]  }
0x7d: {  	v15 =	vor.u32 s12, v3;
	v14 =	vld [tilespmem:s13+$0xFFFFFF30];
	[tilespmem:v10+s21+$0x0] =	vst.idx.msk $0xffff, v8  }
0x7e: {  	v10 =	vor.u32 s3, v6;
	v8 =	vld [tilespmem:s0+$0xFFFFFF60];
	[tilespmem:v13+s21+$0x0] =	vst.idx.msk $0xffff, v12  }
0x7f: {  	v13 =	vor.u32 s14, v7;
	s14 =	smov.u32 s9;
	[tilespmem:v17+s21+$0x0] =	vst.idx.msk $0xffff, v16;
	v12 =	vld [tilespmem:s0+$0xFFFFFFF0]  }
0x80: {  	[tilespmem:v19+s21+$0x0] =	vst.idx.msk $0xffff, v18;
	v18 =	vld [tilespmem:s13+$0xC0];
	v19 =	vor.u32 s8, v4  }
0x81: {  	v21 =	vor.u32 s14, v4;
	v20 =	vld [tilespmem:s13+$0xFFFFFFC0];
	[tilespmem:v11+s21+$0x0] =	vst.idx.msk $0xffff, v9  }
0x82: {  	v23 =	vor.u32 s7, v4;
	[tilespmem:v15+s21+$0x0] =	vst.idx.msk $0xffff, v14;
	v22 =	vld [tilespmem:s13+$0x40]  }
.Ltmp2:
0x83: {  	v17 =	vor.u32 s12, v4;
	v16 =	vld [tilespmem:s13+$0xFFFFFF40];
	[tilespmem:v10+s21+$0x0] =	vst.idx.msk $0xffff, v8;
	(pc) =	sbr.rel @p2 .LBB2_2-.Ltmp2, $4  }
0x84: {  	v15 =	vor.u32 s2, v7;
	s2 =	smov.u32 s7;
	[tilespmem:v13+s21+$0x0] =	vst.idx.msk $0xffff, v12;
	v9 =	vld [tilespmem:s0+$0x70]  }
0x85: {  	v14 =	vor.u32 s3, v7;
	s3 =	smov.u32 s12;
	s12 =	smov.u32 s16;
	[tilespmem:v19+s21+$0x0] =	vst.idx.msk $0xffff, v18;
	v11 =	vld [tilespmem:s0+$0xFFFFFF70];
	s0 =	smov.u32 s13  }
0x86: {  	v10 =	vor.u32 s8, v5;
	[tilespmem:v21+s21+$0x0] =	vst.idx.msk $0xffff, v20;
	v8 =	vld [tilespmem:s13+$0xD0]  }
0x87: {  	s16 =	sadd.s32 $0x4, s16;
	s15 =	sadd.s32 $0x3, s12;
	v13 =	vor.u32 s14, v5;
	s13 =	sadd.s32 $0x200, s13;
	v12 =	vld [tilespmem:s0+$0xFFFFFFD0];
	[tilespmem:v23+s21+$0x0] =	vst.idx.msk $0xffff, v22  }
0x88: {  	v18 =	vld [tilespmem:s13+$0x80];
	v19 =	vor.u32 s15, v0  }
0x89: {  	s7 =	sadd.s32 $0x1, s12;
	v24 =	vld [tilespmem:s13+$0xFFFFFF00];
	v25 =	vor.u32 s12, v0  }
0x8a: {  	v20 =	vld [tilespmem:s13+$0xFFFFFF80];
	s16 =	sadd.s32 $0x2, s12;
	v21 =	vor.u32 s7, v0  }
0x8b: {  	v22 =	vld [tilespmem:s13+$0x0];
	v23 =	vor.u32 s16, v0  }
0x8c: {  	[tilespmem:v17+s21+$0x0] =	vst.idx.msk $0xffff, v16  }
0x8d: {  	[tilespmem:v19+s21+$0x0] =	vst.idx.msk $0xffff, v18  }
0x8e: {  	v52 =	vor.u32 s15, v1;
	[tilespmem:v25+s21+$0x0] =	vst.idx.msk $0xffff, v24;
	v51 =	vld [tilespmem:s13+$0x90]  }
0x8f: {  	v58 =	vor.u32 s12, v1;
	[tilespmem:v21+s21+$0x0] =	vst.idx.msk $0xffff, v20;
	v57 =	vld [tilespmem:s13+$0xFFFFFF10]  }
0x90: {  	v54 =	vor.u32 s7, v1;
	[tilespmem:v23+s21+$0x0] =	vst.idx.msk $0xffff, v22;
	v53 =	vld [tilespmem:s13+$0xFFFFFF90]  }
0x91: {  	v56 =	vor.u32 s16, v1;
	[tilespmem:v15+s21+$0x0] =	vst.idx.msk $0xffff, v9;
	v55 =	vld [tilespmem:s13+$0x10]  }
0x92: {  	[tilespmem:v10+s21+$0x0] =	vst.idx.msk $0xffff, v8  }
0x93: {  	[tilespmem:v52+s21+$0x0] =	vst.idx.msk $0xffff, v51  }
0x94: {  	v60 =	vor.u32 s15, v2;
	[tilespmem:v58+s21+$0x0] =	vst.idx.msk $0xffff, v57;
	v59 =	vld [tilespmem:s13+$0xA0]  }
0x95: {  	v22 =	vor.u32 s12, v2;
	[tilespmem:v54+s21+$0x0] =	vst.idx.msk $0xffff, v53;
	v8 =	vld [tilespmem:s13+$0xFFFFFF20]  }
0x96: {  	v62 =	vor.u32 s7, v2;
	[tilespmem:v56+s21+$0x0] =	vst.idx.msk $0xffff, v55;
	v61 =	vld [tilespmem:s13+$0xFFFFFFA0]  }
0x97: {  	[tilespmem:v14+s21+$0x0] =	vst.idx.msk $0xffff, v11;
	v21 =	vor.u32 s16, v2;
	v63 =	vld [tilespmem:s13+$0x20]  }
0x98: {  	v33 =	vor.u32 s3, v5;
	v32 =	vld [tilespmem:s0+$0xFFFFFF50];
	[tilespmem:v13+s21+$0x0] =	vst.idx.msk $0xffff, v12  }
0x99: {  	v26 =	vor.u32 s2, v5;
	v25 =	vld [tilespmem:s0+$0x50];
	[tilespmem:v60+s21+$0x0] =	vst.idx.msk $0xffff, v59  }
0x9a: {  	v27 =	vor.u32 s15, v3;
	[tilespmem:v22+s21+$0x0] =	vst.idx.msk $0xffff, v8;
	v11 =	vld [tilespmem:s13+$0xB0]  }
0x9b: {  	v30 =	vor.u32 s12, v3;
	[tilespmem:v62+s21+$0x0] =	vst.idx.msk $0xffff, v61;
	v10 =	vld [tilespmem:s13+$0xFFFFFF30]  }
0x9c: {  	v28 =	vor.u32 s7, v3;
	[tilespmem:v21+s21+$0x0] =	vst.idx.msk $0xffff, v63;
	v16 =	vld [tilespmem:s13+$0xFFFFFFB0]  }
0x9d: {  	v29 =	vor.u32 s16, v3;
	[tilespmem:v33+s21+$0x0] =	vst.idx.msk $0xffff, v32;
	v8 =	vld [tilespmem:s13+$0x30]  }
0x9e: {  	v39 =	vor.u32 s14, v6;
	v38 =	vld [tilespmem:s0+$0xFFFFFFE0];
	[tilespmem:v26+s21+$0x0] =	vst.idx.msk $0xffff, v25  }
0x9f: {  	v24 =	vor.u32 s8, v6;
	v23 =	vld [tilespmem:s0+$0xE0];
	[tilespmem:v27+s21+$0x0] =	vst.idx.msk $0xffff, v11  }
0xa0: {  	v34 =	vor.u32 s15, v4;
	[tilespmem:v30+s21+$0x0] =	vst.idx.msk $0xffff, v10;
	v11 =	vld [tilespmem:s13+$0xC0]  }
0xa1: {  	v37 =	vor.u32 s12, v4;
	[tilespmem:v28+s21+$0x0] =	vst.idx.msk $0xffff, v16;
	v10 =	vld [tilespmem:s13+$0xFFFFFF40]  }
0xa2: {  	v35 =	vor.u32 s7, v4;
	[tilespmem:v29+s21+$0x0] =	vst.idx.msk $0xffff, v8;
	v16 =	vld [tilespmem:s13+$0xFFFFFFC0]  }
0xa3: {  	v36 =	vor.u32 s16, v4;
	[tilespmem:v39+s21+$0x0] =	vst.idx.msk $0xffff, v38;
	v8 =	vld [tilespmem:s13+$0x40]  }
0xa4: {  	v47 =	vor.u32 s3, v6;
	v46 =	vld [tilespmem:s0+$0xFFFFFF60];
	[tilespmem:v24+s21+$0x0] =	vst.idx.msk $0xffff, v23  }
0xa5: {  	v41 =	vor.u32 s2, v6;
	v40 =	vld [tilespmem:s0+$0x60];
	[tilespmem:v34+s21+$0x0] =	vst.idx.msk $0xffff, v11  }
0xa6: {  	v42 =	vor.u32 s15, v5;
	[tilespmem:v37+s21+$0x0] =	vst.idx.msk $0xffff, v10;
	v11 =	vld [tilespmem:s13+$0xD0]  }
0xa7: {  	v45 =	vor.u32 s12, v5;
	[tilespmem:v35+s21+$0x0] =	vst.idx.msk $0xffff, v16;
	v10 =	vld [tilespmem:s13+$0xFFFFFF50]  }
0xa8: {  	v43 =	vor.u32 s7, v5;
	[tilespmem:v36+s21+$0x0] =	vst.idx.msk $0xffff, v8;
	v16 =	vld [tilespmem:s13+$0xFFFFFFD0]  }
0xa9: {  	v44 =	vor.u32 s16, v5;
	[tilespmem:v47+s21+$0x0] =	vst.idx.msk $0xffff, v46;
	v8 =	vld [tilespmem:s13+$0x50]  }
0xaa: {  	v49 =	vor.u32 s14, v7;
	v48 =	vld [tilespmem:s0+$0xFFFFFFF0];
	[tilespmem:v41+s21+$0x0] =	vst.idx.msk $0xffff, v40  }
0xab: {  	v31 =	vor.u32 s8, v7;
	v13 =	vld [tilespmem:s0+$0xF0];
	[tilespmem:v42+s21+$0x0] =	vst.idx.msk $0xffff, v11  }
0xac: {  	v50 =	vor.u32 s15, v6;
	[tilespmem:v45+s21+$0x0] =	vst.idx.msk $0xffff, v10;
	v11 =	vld [tilespmem:s13+$0xE0]  }
0xad: {  	v55 =	vor.u32 s12, v6;
	[tilespmem:v43+s21+$0x0] =	vst.idx.msk $0xffff, v16;
	v54 =	vld [tilespmem:s13+$0xFFFFFF60]  }
0xae: {  	v51 =	vor.u32 s7, v6;
	[tilespmem:v44+s21+$0x0] =	vst.idx.msk $0xffff, v8;
	v8 =	vld [tilespmem:s13+$0xFFFFFFE0]  }
0xaf: {  	v53 =	vor.u32 s16, v6;
	[tilespmem:v49+s21+$0x0] =	vst.idx.msk $0xffff, v48;
	v52 =	vld [tilespmem:s13+$0x60]  }
0xb0: {  	v57 =	vor.u32 s2, v7;
	[tilespmem:v31+s21+$0x0] =	vst.idx.msk $0xffff, v13;
	v56 =	vld [tilespmem:s0+$0x70]  }
0xb1: {  	v58 =	vld [tilespmem:s0+$0xFFFFFF70];
	v59 =	vor.u32 s3, v7;
	[tilespmem:v50+s21+$0x0] =	vst.idx.msk $0xffff, v11  }
0xb2: {  	v60 =	vor.u32 s15, v7;
	[tilespmem:v55+s21+$0x0] =	vst.idx.msk $0xffff, v54;
	v11 =	vld [tilespmem:s13+$0xF0]  }
0xb3: {  	v63 =	vor.u32 s12, v7;
	[tilespmem:v51+s21+$0x0] =	vst.idx.msk $0xffff, v8;
	v13 =	vld [tilespmem:s13+$0xFFFFFF70]  }
0xb4: {  	v61 =	vor.u32 s7, v7;
	[tilespmem:v53+s21+$0x0] =	vst.idx.msk $0xffff, v52;
	v8 =	vld [tilespmem:s13+$0xFFFFFFF0]  }
0xb5: {  	v62 =	vor.u32 s16, v7;
	[tilespmem:v57+s21+$0x0] =	vst.idx.msk $0xffff, v56;
	v10 =	vld [tilespmem:s13+$0x70]  }
0xb6: {  	[tilespmem:v59+s21+$0x0] =	vst.idx.msk $0xffff, v58  }
0xb7: {  	[tilespmem:v60+s21+$0x0] =	vst.idx.msk $0xffff, v11  }
0xb8: {  	[tilespmem:v63+s21+$0x0] =	vst.idx.msk $0xffff, v13  }
0xb9: {  	[tilespmem:v61+s21+$0x0] =	vst.idx.msk $0xffff, v8  }
0xba: {  	[tilespmem:v62+s21+$0x0] =	vst.idx.msk $0xffff, v10  }
0xbb: {  	s29 =	simm.s32 $0x0;
	s31 =	rddreg [dreg:$0x6]  }
0xbc: {  	[hbm4b:s31+s28] =	stream.linear.scatter [tilespmem:s21], [sflag:$0x3], $0x2000, $0x38;
	[tilespmem:$0x9000] =	vst v63  }
.LBB2_4:
0xbd: {  	s31 =	sshll.u32 s29, $0x6  }
0xbe: {  	s30 =	sadd.s32 s10, s31  }
0xbf: {  	s0 =	sshll.u32 s30, $0x7  }
0xc0: {  	s0 =	sadd.s32 s1, s0  }
0xc1: {  	[tilespmem:s4], [sflag:$0x1] =	stream.strided.gather [hbm4b:s0+s17], $0x2000, s18, s17, $0x38;
	[tilespmem:$0x9000] =	vst v63  }
0xc2: {  	_ =	swait.ge [sflag:s22], $0x2000  }
0xc3: {  	p2 =	seq.s32 s29, $0x0;
	[sflag:s22] =	ssyncset.done $0x0  }
0xc4: {  	s0 =	simm.s32 @!p2 $0x4;
	[sflag:s22] =	ssyncadd.s32 $0xFFFFE000  }
0xc5: {  	_ =	swait.ge @!p2 [sflag:s0], $0x2000  }
0xc6: {  	[sflag:s0] =	ssyncset.done @!p2 $0x0  }
0xc7: {  	s12 =	simm.s32 $0x2100;
	s9 =	simm.s32 $0x3;
	[sflag:s0] =	ssyncadd.s32 @!p2 $0xFFFFE000  }
0xc8: {  	s15 =	simm.s32 $0x2;
	v9 =	vor.u32 s9, v0;
	v8 =	vld [tilespmem:s12+$0x80]  }
0xc9: {  	s7 =	simm.s32 $0x1;
	v13 =	vor.u32 s15, v0;
	v12 =	vld [tilespmem:s12+$0x0]  }
0xca: {  	v11 =	vor.u32 s7, v0;
	v10 =	vld [tilespmem:s12+$0xFFFFFF80];
	_ =	sdelay $0x2  }
0xcb: {  	v15 =	vor.u32 s28, v0;
	v14 =	vld [tilespmem:s12+$0xFFFFFF00];
	[tilespmem:v9+s23+$0x0] =	vst.idx.msk $0xffff, v8  }
0xcc: {  	v9 =	vor.u32 s9, v1;
	[tilespmem:v13+s23+$0x0] =	vst.idx.msk $0xffff, v12;
	v8 =	vld [tilespmem:s12+$0x90]  }
0xcd: {  	[tilespmem:v11+s23+$0x0] =	vst.idx.msk $0xffff, v10;
	v13 =	vor.u32 s15, v1;
	v12 =	vld [tilespmem:s12+$0x10]  }
0xce: {  	v11 =	vor.u32 s7, v1;
	v10 =	vld [tilespmem:s12+$0xFFFFFF90];
	_ =	sdelay $0x1  }
0xcf: {  	[tilespmem:v15+s23+$0x0] =	vst.idx.msk $0xffff, v14  }
0xd0: {  	v15 =	vor.u32 s28, v1;
	v14 =	vld [tilespmem:s12+$0xFFFFFF10];
	[tilespmem:v9+s23+$0x0] =	vst.idx.msk $0xffff, v8  }
0xd1: {  	v9 =	vor.u32 s9, v2;
	[tilespmem:v13+s23+$0x0] =	vst.idx.msk $0xffff, v12;
	v8 =	vld [tilespmem:s12+$0xA0]  }
0xd2: {  	[tilespmem:v11+s23+$0x0] =	vst.idx.msk $0xffff, v10;
	v13 =	vor.u32 s15, v2;
	v12 =	vld [tilespmem:s12+$0x20]  }
0xd3: {  	v11 =	vor.u32 s7, v2;
	v10 =	vld [tilespmem:s12+$0xFFFFFFA0];
	_ =	sdelay $0x1  }
0xd4: {  	[tilespmem:v15+s23+$0x0] =	vst.idx.msk $0xffff, v14  }
0xd5: {  	v15 =	vor.u32 s28, v2;
	v14 =	vld [tilespmem:s12+$0xFFFFFF20];
	[tilespmem:v9+s23+$0x0] =	vst.idx.msk $0xffff, v8  }
0xd6: {  	v9 =	vor.u32 s9, v3;
	[tilespmem:v13+s23+$0x0] =	vst.idx.msk $0xffff, v12;
	v8 =	vld [tilespmem:s12+$0xB0]  }
0xd7: {  	[tilespmem:v11+s23+$0x0] =	vst.idx.msk $0xffff, v10;
	v13 =	vor.u32 s15, v3;
	v12 =	vld [tilespmem:s12+$0x30]  }
0xd8: {  	v11 =	vor.u32 s7, v3;
	v10 =	vld [tilespmem:s12+$0xFFFFFFB0];
	_ =	sdelay $0x1  }
0xd9: {  	[tilespmem:v15+s23+$0x0] =	vst.idx.msk $0xffff, v14  }
0xda: {  	v15 =	vor.u32 s28, v3;
	v14 =	vld [tilespmem:s12+$0xFFFFFF30];
	[tilespmem:v9+s23+$0x0] =	vst.idx.msk $0xffff, v8  }
0xdb: {  	v9 =	vor.u32 s9, v4;
	[tilespmem:v13+s23+$0x0] =	vst.idx.msk $0xffff, v12;
	v8 =	vld [tilespmem:s12+$0xC0]  }
0xdc: {  	[tilespmem:v11+s23+$0x0] =	vst.idx.msk $0xffff, v10;
	v13 =	vor.u32 s15, v4;
	v12 =	vld [tilespmem:s12+$0x40]  }
0xdd: {  	v11 =	vor.u32 s7, v4;
	v10 =	vld [tilespmem:s12+$0xFFFFFFC0]  }
0xde: {  	s8 =	simm.s32 $0x7;
	s0 =	simm.s32 $0x2300  }
0xdf: {  	v17 =	vor.u32 s8, v0;
	v16 =	vld [tilespmem:s0+$0x80];
	[tilespmem:v15+s23+$0x0] =	vst.idx.msk $0xffff, v14  }
0xe0: {  	s14 =	simm.s32 $0x5;
	v15 =	vor.u32 s28, v4;
	v14 =	vld [tilespmem:s12+$0xFFFFFF40];
	[tilespmem:v9+s23+$0x0] =	vst.idx.msk $0xffff, v8  }
0xe1: {  	[tilespmem:v13+s23+$0x0] =	vst.idx.msk $0xffff, v12;
	v12 =	vld [tilespmem:s0+$0xFFFFFF80];
	v13 =	vor.u32 s14, v0  }
0xe2: {  	[tilespmem:v11+s23+$0x0] =	vst.idx.msk $0xffff, v10;
	v9 =	vor.u32 s9, v5;
	v8 =	vld [tilespmem:s12+$0xD0]  }
0xe3: {  	v11 =	vor.u32 s7, v5;
	v10 =	vld [tilespmem:s12+$0xFFFFFFD0]  }
0xe4: {  	s2 =	simm.s32 $0x6;
	[tilespmem:v17+s23+$0x0] =	vst.idx.msk $0xffff, v16  }
0xe5: {  	s3 =	simm.s32 $0x4;
	[tilespmem:v15+s23+$0x0] =	vst.idx.msk $0xffff, v14;
	v14 =	vld [tilespmem:s0+$0x0];
	v15 =	vor.u32 s2, v0  }
0xe6: {  	v19 =	vor.u32 s3, v0;
	v18 =	vld [tilespmem:s0+$0xFFFFFF00];
	[tilespmem:v13+s23+$0x0] =	vst.idx.msk $0xffff, v12  }
0xe7: {  	v12 =	vld [tilespmem:s0+$0x90];
	v13 =	vor.u32 s8, v1;
	[tilespmem:v9+s23+$0x0] =	vst.idx.msk $0xffff, v8  }
0xe8: {  	[tilespmem:v11+s23+$0x0] =	vst.idx.msk $0xffff, v10;
	v10 =	vld [tilespmem:s12+$0x50];
	v11 =	vor.u32 s15, v5  }
0xe9: {  	v9 =	vor.u32 s9, v6;
	v8 =	vld [tilespmem:s12+$0xE0]  }
0xea: {  	v17 =	vor.u32 s14, v1;
	[tilespmem:v15+s23+$0x0] =	vst.idx.msk $0xffff, v14;
	v16 =	vld [tilespmem:s0+$0xFFFFFF90]  }
0xeb: {  	[tilespmem:v19+s23+$0x0] =	vst.idx.msk $0xffff, v18;
	v15 =	vor.u32 s2, v1;
	v14 =	vld [tilespmem:s0+$0x10]  }
0xec: {  	v19 =	vor.u32 s3, v1;
	v18 =	vld [tilespmem:s0+$0xFFFFFF10];
	[tilespmem:v13+s23+$0x0] =	vst.idx.msk $0xffff, v12  }
0xed: {  	v13 =	vor.u32 s8, v2;
	[tilespmem:v11+s23+$0x0] =	vst.idx.msk $0xffff, v10;
	v12 =	vld [tilespmem:s0+$0xA0]  }
0xee: {  	v10 =	vld [tilespmem:s12+$0xFFFFFF50];
	v11 =	vor.u32 s28, v5;
	[tilespmem:v9+s23+$0x0] =	vst.idx.msk $0xffff, v8  }
0xef: {  	[tilespmem:v17+s23+$0x0] =	vst.idx.msk $0xffff, v16;
	v9 =	vor.u32 s9, v7;
	v8 =	vld [tilespmem:s12+$0xF0]  }
0xf0: {  	v17 =	vor.u32 s14, v2;
	[tilespmem:v15+s23+$0x0] =	vst.idx.msk $0xffff, v14;
	v16 =	vld [tilespmem:s0+$0xFFFFFFA0]  }
0xf1: {  	[tilespmem:v19+s23+$0x0] =	vst.idx.msk $0xffff, v18;
	v15 =	vor.u32 s2, v2;
	v14 =	vld [tilespmem:s0+$0x20]  }
0xf2: {  	v19 =	vor.u32 s3, v2;
	v18 =	vld [tilespmem:s0+$0xFFFFFF20];
	[tilespmem:v13+s23+$0x0] =	vst.idx.msk $0xffff, v12  }
0xf3: {  	[tilespmem:v11+s23+$0x0] =	vst.idx.msk $0xffff, v10;
	v13 =	vor.u32 s8, v3;
	v12 =	vld [tilespmem:s0+$0xB0]  }
0xf4: {  	[tilespmem:v9+s23+$0x0] =	vst.idx.msk $0xffff, v8;
	v8 =	vld [tilespmem:s12+$0xFFFFFFE0];
	v9 =	vor.u32 s7, v6  }
0xf5: {  	v10 =	vld [tilespmem:s12+$0x60];
	v11 =	vor.u32 s15, v6;
	[tilespmem:v17+s23+$0x0] =	vst.idx.msk $0xffff, v16  }
0xf6: {  	v17 =	vor.u32 s14, v3;
	[tilespmem:v15+s23+$0x0] =	vst.idx.msk $0xffff, v14;
	v16 =	vld [tilespmem:s0+$0xFFFFFFB0]  }
0xf7: {  	[tilespmem:v19+s23+$0x0] =	vst.idx.msk $0xffff, v18;
	v15 =	vor.u32 s2, v3;
	v14 =	vld [tilespmem:s0+$0x30]  }
0xf8: {  	v19 =	vor.u32 s3, v3;
	v18 =	vld [tilespmem:s0+$0xFFFFFF30];
	[tilespmem:v13+s23+$0x0] =	vst.idx.msk $0xffff, v12  }
0xf9: {  	[tilespmem:v9+s23+$0x0] =	vst.idx.msk $0xffff, v8;
	v8 =	vld [tilespmem:s12+$0xFFFFFF60];
	v9 =	vor.u32 s28, v6  }
0xfa: {  	[tilespmem:v11+s23+$0x0] =	vst.idx.msk $0xffff, v10;
	v13 =	vor.u32 s8, v4;
	v12 =	vld [tilespmem:s0+$0xC0]  }
0xfb: {  	v11 =	vor.u32 s7, v7;
	[tilespmem:v17+s23+$0x0] =	vst.idx.msk $0xffff, v16;
	v10 =	vld [tilespmem:s12+$0xFFFFFFF0]  }
0xfc: {  	v21 =	vor.u32 s14, v4;
	[tilespmem:v15+s23+$0x0] =	vst.idx.msk $0xffff, v14;
	v20 =	vld [tilespmem:s0+$0xFFFFFFC0]  }
0xfd: {  	[tilespmem:v19+s23+$0x0] =	vst.idx.msk $0xffff, v18;
	v19 =	vor.u32 s2, v4;
	v18 =	vld [tilespmem:s0+$0x40]  }
0xfe: {  	v16 =	vld [tilespmem:s0+$0xFFFFFF40];
	v17 =	vor.u32 s3, v4;
	[tilespmem:v9+s23+$0x0] =	vst.idx.msk $0xffff, v8  }
0xff: {  	v15 =	vor.u32 s15, v7;
	v9 =	vld [tilespmem:s12+$0x70];
	[tilespmem:v13+s23+$0x0] =	vst.idx.msk $0xffff, v12  }
0x100: {  	v14 =	vor.u32 s28, v7;
	[tilespmem:v11+s23+$0x0] =	vst.idx.msk $0xffff, v10;
	v10 =	vld [tilespmem:s12+$0xFFFFFF70]  }
0x101: {  	s13 =	simm.s32 $0x8;
	s16 =	simm.s32 $0xB;
	[tilespmem:v21+s23+$0x0] =	vst.idx.msk $0xffff, v20;
	v8 =	vld [tilespmem:s0+$0xD0];
	v11 =	vor.u32 s8, v5  }
0x102: {  	s7 =	simm.s32 $0xC;
	s15 =	simm.s32 $0x2500;
	v13 =	vor.u32 s14, v5;
	s12 =	sor.u32 s5, s31;
	[tilespmem:v19+s23+$0x0] =	vst.idx.msk $0xffff, v18;
	v12 =	vld [tilespmem:s0+$0xFFFFFFD0]  }
.LBB2_5:
0x103: {  	p2 =	slt.u32 s7, $0x3C;
	s25 =	sadd.s32 $0x1, s13;
	v18 =	vld [tilespmem:s15+$0x80];
	v19 =	vor.u32 s16, v0;
	[tilespmem:v17+s23+$0x0] =	vst.idx.msk $0xffff, v16  }
0x104: {  	s9 =	sadd.s32 $0x2, s13;
	v16 =	vld [tilespmem:s15+$0xFFFFFF80];
	v17 =	vor.u32 s25, v0;
	[tilespmem:v15+s23+$0x0] =	vst.idx.msk $0xffff, v9  }
0x105: {  	v15 =	vor.u32 s9, v0;
	v9 =	vld [tilespmem:s15+$0x0];
	[tilespmem:v14+s23+$0x0] =	vst.idx.msk $0xffff, v10  }
0x106: {  	v14 =	vor.u32 s13, v0;
	v10 =	vld [tilespmem:s15+$0xFFFFFF00];
	[tilespmem:v11+s23+$0x0] =	vst.idx.msk $0xffff, v8  }
0x107: {  	v11 =	vor.u32 s8, v6;
	[tilespmem:v13+s23+$0x0] =	vst.idx.msk $0xffff, v12;
	v8 =	vld [tilespmem:s0+$0xE0]  }
0x108: {  	v13 =	vor.u32 s2, v5;
	[tilespmem:v19+s23+$0x0] =	vst.idx.msk $0xffff, v18;
	v12 =	vld [tilespmem:s0+$0x50]  }
0x109: {  	[tilespmem:v17+s23+$0x0] =	vst.idx.msk $0xffff, v16;
	v16 =	vld [tilespmem:s15+$0x90];
	v17 =	vor.u32 s16, v1  }
0x10a: {  	v19 =	vor.u32 s25, v1;
	v18 =	vld [tilespmem:s15+$0xFFFFFF90];
	[tilespmem:v15+s23+$0x0] =	vst.idx.msk $0xffff, v9  }
0x10b: {  	[tilespmem:v14+s23+$0x0] =	vst.idx.msk $0xffff, v10;
	v9 =	vld [tilespmem:s15+$0x10];
	v10 =	vor.u32 s9, v1  }
0x10c: {  	v15 =	vor.u32 s13, v1;
	v14 =	vld [tilespmem:s15+$0xFFFFFF10];
	[tilespmem:v11+s23+$0x0] =	vst.idx.msk $0xffff, v8  }
0x10d: {  	v11 =	vor.u32 s8, v7;
	s8 =	smov.u32 s16;
	[tilespmem:v13+s23+$0x0] =	vst.idx.msk $0xffff, v12;
	v8 =	vld [tilespmem:s0+$0xF0]  }
0x10e: {  	v13 =	vor.u32 s3, v5;
	[tilespmem:v17+s23+$0x0] =	vst.idx.msk $0xffff, v16;
	v12 =	vld [tilespmem:s0+$0xFFFFFF50]  }
0x10f: {  	v17 =	vor.u32 s8, v2;
	[tilespmem:v19+s23+$0x0] =	vst.idx.msk $0xffff, v18;
	v16 =	vld [tilespmem:s15+$0xA0]  }
0x110: {  	v19 =	vor.u32 s25, v2;
	v18 =	vld [tilespmem:s15+$0xFFFFFFA0];
	[tilespmem:v10+s23+$0x0] =	vst.idx.msk $0xffff, v9  }
0x111: {  	v10 =	vor.u32 s9, v2;
	[tilespmem:v15+s23+$0x0] =	vst.idx.msk $0xffff, v14;
	v9 =	vld [tilespmem:s15+$0x20]  }
0x112: {  	v15 =	vor.u32 s13, v2;
	v14 =	vld [tilespmem:s15+$0xFFFFFF20];
	[tilespmem:v11+s23+$0x0] =	vst.idx.msk $0xffff, v8  }
0x113: {  	v11 =	vor.u32 s14, v6;
	[tilespmem:v13+s23+$0x0] =	vst.idx.msk $0xffff, v12;
	v8 =	vld [tilespmem:s0+$0xFFFFFFE0]  }
0x114: {  	v13 =	vor.u32 s2, v6;
	[tilespmem:v17+s23+$0x0] =	vst.idx.msk $0xffff, v16;
	v12 =	vld [tilespmem:s0+$0x60]  }
0x115: {  	v17 =	vor.u32 s8, v3;
	[tilespmem:v19+s23+$0x0] =	vst.idx.msk $0xffff, v18;
	v16 =	vld [tilespmem:s15+$0xB0]  }
0x116: {  	v19 =	vor.u32 s25, v3;
	v18 =	vld [tilespmem:s15+$0xFFFFFFB0];
	[tilespmem:v10+s23+$0x0] =	vst.idx.msk $0xffff, v9  }
0x117: {  	v10 =	vor.u32 s9, v3;
	[tilespmem:v15+s23+$0x0] =	vst.idx.msk $0xffff, v14;
	v9 =	vld [tilespmem:s15+$0x30]  }
0x118: {  	v15 =	vor.u32 s13, v3;
	v14 =	vld [tilespmem:s15+$0xFFFFFF30];
	[tilespmem:v11+s23+$0x0] =	vst.idx.msk $0xffff, v8  }
0x119: {  	v11 =	vor.u32 s3, v6;
	v8 =	vld [tilespmem:s0+$0xFFFFFF60];
	[tilespmem:v13+s23+$0x0] =	vst.idx.msk $0xffff, v12  }
0x11a: {  	v13 =	vor.u32 s14, v7;
	s14 =	smov.u32 s25;
	[tilespmem:v17+s23+$0x0] =	vst.idx.msk $0xffff, v16;
	v12 =	vld [tilespmem:s0+$0xFFFFFFF0]  }
0x11b: {  	[tilespmem:v19+s23+$0x0] =	vst.idx.msk $0xffff, v18;
	v18 =	vld [tilespmem:s15+$0xC0];
	v19 =	vor.u32 s8, v4  }
0x11c: {  	v21 =	vor.u32 s14, v4;
	v20 =	vld [tilespmem:s15+$0xFFFFFFC0];
	[tilespmem:v10+s23+$0x0] =	vst.idx.msk $0xffff, v9  }
0x11d: {  	v23 =	vor.u32 s9, v4;
	[tilespmem:v15+s23+$0x0] =	vst.idx.msk $0xffff, v14;
	v22 =	vld [tilespmem:s15+$0x40]  }
.Ltmp3:
0x11e: {  	v17 =	vor.u32 s13, v4;
	v16 =	vld [tilespmem:s15+$0xFFFFFF40];
	[tilespmem:v11+s23+$0x0] =	vst.idx.msk $0xffff, v8;
	(pc) =	sbr.rel @p2 .LBB2_5-.Ltmp3, $4  }
0x11f: {  	v15 =	vor.u32 s2, v7;
	s2 =	smov.u32 s9;
	[tilespmem:v13+s23+$0x0] =	vst.idx.msk $0xffff, v12;
	v9 =	vld [tilespmem:s0+$0x70]  }
0x120: {  	v14 =	vor.u32 s3, v7;
	s3 =	smov.u32 s13;
	s13 =	smov.u32 s7;
	[tilespmem:v19+s23+$0x0] =	vst.idx.msk $0xffff, v18;
	v10 =	vld [tilespmem:s0+$0xFFFFFF70];
	s0 =	smov.u32 s15  }
0x121: {  	v11 =	vor.u32 s8, v5;
	[tilespmem:v21+s23+$0x0] =	vst.idx.msk $0xffff, v20;
	v8 =	vld [tilespmem:s15+$0xD0]  }
0x122: {  	s7 =	sadd.s32 $0x4, s7;
	s16 =	sadd.s32 $0x3, s13;
	v13 =	vor.u32 s14, v5;
	s15 =	sadd.s32 $0x200, s15;
	v12 =	vld [tilespmem:s0+$0xFFFFFFD0];
	[tilespmem:v23+s23+$0x0] =	vst.idx.msk $0xffff, v22  }
0x123: {  	_ =	sdelay $0x1  }
0x124: {  	v18 =	vld [tilespmem:s15+$0x80];
	v19 =	vor.u32 s16, v0  }
0x125: {  	s9 =	sadd.s32 $0x2, s13;
	v24 =	vld [tilespmem:s15+$0xFFFFFF00];
	v25 =	vor.u32 s13, v0  }
0x126: {  	s7 =	sadd.s32 $0x1, s13;
	v22 =	vld [tilespmem:s15+$0x0];
	[tilespmem:v17+s23+$0x0] =	vst.idx.msk $0xffff, v16;
	v23 =	vor.u32 s9, v0  }
0x127: {  	v20 =	vld [tilespmem:s15+$0xFFFFFF80];
	v21 =	vor.u32 s7, v0;
	[tilespmem:v15+s23+$0x0] =	vst.idx.msk $0xffff, v9  }
0x128: {  	[tilespmem:v14+s23+$0x0] =	vst.idx.msk $0xffff, v10  }
0x129: {  	[tilespmem:v19+s23+$0x0] =	vst.idx.msk $0xffff, v18  }
0x12a: {  	v17 =	vor.u32 s16, v1;
	[tilespmem:v25+s23+$0x0] =	vst.idx.msk $0xffff, v24;
	v16 =	vld [tilespmem:s15+$0x90]  }
0x12b: {  	v15 =	vor.u32 s13, v1;
	[tilespmem:v23+s23+$0x0] =	vst.idx.msk $0xffff, v22;
	v9 =	vld [tilespmem:s15+$0xFFFFFF10]  }
0x12c: {  	v61 =	vor.u32 s9, v1;
	[tilespmem:v21+s23+$0x0] =	vst.idx.msk $0xffff, v20;
	v60 =	vld [tilespmem:s15+$0x10]  }
0x12d: {  	[tilespmem:v11+s23+$0x0] =	vst.idx.msk $0xffff, v8;
	v19 =	vor.u32 s7, v1;
	v18 =	vld [tilespmem:s15+$0xFFFFFF90]  }
0x12e: {  	[tilespmem:v13+s23+$0x0] =	vst.idx.msk $0xffff, v12  }
0x12f: {  	v12 =	vld [tilespmem:s0+$0xE0];
	v13 =	vor.u32 s8, v6;
	[tilespmem:v17+s23+$0x0] =	vst.idx.msk $0xffff, v16  }
0x130: {  	v14 =	vor.u32 s16, v2;
	[tilespmem:v15+s23+$0x0] =	vst.idx.msk $0xffff, v9;
	v10 =	vld [tilespmem:s15+$0xA0]  }
0x131: {  	v11 =	vor.u32 s13, v2;
	[tilespmem:v61+s23+$0x0] =	vst.idx.msk $0xffff, v60;
	v8 =	vld [tilespmem:s15+$0xFFFFFF20]  }
0x132: {  	v15 =	vor.u32 s9, v2;
	[tilespmem:v19+s23+$0x0] =	vst.idx.msk $0xffff, v18;
	v9 =	vld [tilespmem:s15+$0x20]  }
0x133: {  	v17 =	vor.u32 s7, v2;
	v16 =	vld [tilespmem:s15+$0xFFFFFFA0]  }
0x134: {  	[tilespmem:v13+s23+$0x0] =	vst.idx.msk $0xffff, v12  }
0x135: {  	v18 =	vld [tilespmem:s0+$0x50];
	v19 =	vor.u32 s2, v5;
	[tilespmem:v14+s23+$0x0] =	vst.idx.msk $0xffff, v10  }
0x136: {  	v14 =	vor.u32 s16, v3;
	[tilespmem:v11+s23+$0x0] =	vst.idx.msk $0xffff, v8;
	v10 =	vld [tilespmem:s15+$0xB0]  }
0x137: {  	v13 =	vld [tilespmem:s0+$0xF0];
	[tilespmem:v15+s23+$0x0] =	vst.idx.msk $0xffff, v9;
	v15 =	vor.u32 s8, v7  }
0x138: {  	v12 =	vor.u32 s13, v3;
	[tilespmem:v17+s23+$0x0] =	vst.idx.msk $0xffff, v16;
	v11 =	vld [tilespmem:s15+$0xFFFFFF30]  }
0x139: {  	v17 =	vor.u32 s7, v3;
	v16 =	vld [tilespmem:s15+$0xFFFFFFB0]  }
0x13a: {  	[tilespmem:v19+s23+$0x0] =	vst.idx.msk $0xffff, v18;
	v9 =	vor.u32 s9, v3;
	v8 =	vld [tilespmem:s15+$0x30]  }
0x13b: {  	v18 =	vld [tilespmem:s0+$0xFFFFFF50];
	v19 =	vor.u32 s3, v5;
	[tilespmem:v14+s23+$0x0] =	vst.idx.msk $0xffff, v10  }
0x13c: {  	[tilespmem:v15+s23+$0x0] =	vst.idx.msk $0xffff, v13;
	v13 =	vld [tilespmem:s0+$0xFFFFFFE0];
	v15 =	vor.u32 s14, v6  }
0x13d: {  	v14 =	vor.u32 s16, v4;
	[tilespmem:v12+s23+$0x0] =	vst.idx.msk $0xffff, v11;
	v10 =	vld [tilespmem:s15+$0xC0]  }
0x13e: {  	v12 =	vor.u32 s13, v4;
	[tilespmem:v17+s23+$0x0] =	vst.idx.msk $0xffff, v16;
	v11 =	vld [tilespmem:s15+$0xFFFFFF40]  }
0x13f: {  	v17 =	vor.u32 s7, v4;
	[tilespmem:v9+s23+$0x0] =	vst.idx.msk $0xffff, v8;
	v16 =	vld [tilespmem:s15+$0xFFFFFFC0]  }
0x140: {  	[tilespmem:v19+s23+$0x0] =	vst.idx.msk $0xffff, v18;
	v9 =	vor.u32 s9, v4;
	v8 =	vld [tilespmem:s15+$0x40]  }
0x141: {  	v18 =	vld [tilespmem:s0+$0x60];
	v19 =	vor.u32 s2, v6;
	[tilespmem:v15+s23+$0x0] =	vst.idx.msk $0xffff, v13  }
0x142: {  	v13 =	vld [tilespmem:s0+$0xFFFFFF60];
	v15 =	vor.u32 s3, v6;
	[tilespmem:v14+s23+$0x0] =	vst.idx.msk $0xffff, v10  }
0x143: {  	v14 =	vor.u32 s16, v5;
	[tilespmem:v12+s23+$0x0] =	vst.idx.msk $0xffff, v11;
	v10 =	vld [tilespmem:s15+$0xD0]  }
0x144: {  	v12 =	vor.u32 s13, v5;
	[tilespmem:v17+s23+$0x0] =	vst.idx.msk $0xffff, v16;
	v11 =	vld [tilespmem:s15+$0xFFFFFF50]  }
0x145: {  	v17 =	vor.u32 s7, v5;
	[tilespmem:v9+s23+$0x0] =	vst.idx.msk $0xffff, v8;
	v16 =	vld [tilespmem:s15+$0xFFFFFFD0]  }
0x146: {  	[tilespmem:v19+s23+$0x0] =	vst.idx.msk $0xffff, v18;
	v9 =	vor.u32 s9, v5;
	v8 =	vld [tilespmem:s15+$0x50]  }
0x147: {  	[tilespmem:v15+s23+$0x0] =	vst.idx.msk $0xffff, v13  }
0x148: {  	v19 =	vor.u32 s14, v7;
	v18 =	vld [tilespmem:s0+$0xFFFFFFF0];
	[tilespmem:v14+s23+$0x0] =	vst.idx.msk $0xffff, v10  }
0x149: {  	v14 =	vor.u32 s16, v6;
	[tilespmem:v12+s23+$0x0] =	vst.idx.msk $0xffff, v11;
	v10 =	vld [tilespmem:s15+$0xE0]  }
0x14a: {  	v15 =	vor.u32 s13, v6;
	[tilespmem:v17+s23+$0x0] =	vst.idx.msk $0xffff, v16;
	v13 =	vld [tilespmem:s15+$0xFFFFFF60]  }
0x14b: {  	[tilespmem:v9+s23+$0x0] =	vst.idx.msk $0xffff, v8;
	v9 =	vor.u32 s7, v6;
	v8 =	vld [tilespmem:s15+$0xFFFFFFE0]  }
0x14c: {  	v12 =	vor.u32 s9, v6;
	v11 =	vld [tilespmem:s15+$0x60]  }
0x14d: {  	[tilespmem:v19+s23+$0x0] =	vst.idx.msk $0xffff, v18;
	v18 =	vld [tilespmem:s0+$0xFFFFFF70];
	v19 =	vor.u32 s3, v7  }
0x14e: {  	v16 =	vld [tilespmem:s0+$0x70];
	v17 =	vor.u32 s2, v7;
	[tilespmem:v14+s23+$0x0] =	vst.idx.msk $0xffff, v10  }
0x14f: {  	v14 =	vor.u32 s16, v7;
	[tilespmem:v15+s23+$0x0] =	vst.idx.msk $0xffff, v13;
	v10 =	vld [tilespmem:s15+$0xF0]  }
0x150: {  	v15 =	vor.u32 s13, v7;
	[tilespmem:v9+s23+$0x0] =	vst.idx.msk $0xffff, v8;
	v13 =	vld [tilespmem:s15+$0xFFFFFF70]  }
0x151: {  	[tilespmem:v12+s23+$0x0] =	vst.idx.msk $0xffff, v11;
	v9 =	vor.u32 s7, v7;
	v8 =	vld [tilespmem:s15+$0xFFFFFFF0]  }
0x152: {  	[tilespmem:v19+s23+$0x0] =	vst.idx.msk $0xffff, v18;
	v12 =	vor.u32 s9, v7;
	v11 =	vld [tilespmem:s15+$0x70]  }
0x153: {  	[tilespmem:v17+s23+$0x0] =	vst.idx.msk $0xffff, v16  }
0x154: {  	[tilespmem:v14+s23+$0x0] =	vst.idx.msk $0xffff, v10  }
0x155: {  	s13 =	sshll.u32 s12, $0xA;
	[tilespmem:v15+s23+$0x0] =	vst.idx.msk $0xffff, v13  }
0x156: {  	s0 =	sadd.s32 s13, s6;
	[tilespmem:v9+s23+$0x0] =	vst.idx.msk $0xffff, v8  }
0x157: {  	s14 =	sadd.s32 s11, s31;
	s13 =	simm.s32 $0x0;
	s0 =	sadd.s32 $0x8000, s0;
	[tilespmem:v12+s23+$0x0] =	vst.idx.msk $0xffff, v11  }
0x158: {  	[hbm4b:s0+s13] =	stream.linear.scatter [tilespmem:s23], [sflag:$0x4], $0x2000, $0x38;
	[tilespmem:$0x9000] =	vst v63  }
0x159: {  	s0 =	sshll.u32 s14, $0x7  }
0x15a: {  	s0 =	sadd.s32 s1, s0  }
0x15b: {  	[tilespmem:s19], [sflag:$0x2] =	stream.strided.gather [hbm4b:s0+s17], $0x2000, s18, s17, $0x38;
	[tilespmem:$0x9000] =	vst v63  }
0x15c: {  	_ =	swait.ge [sflag:s20], $0x2000  }
0x15d: {  	[sflag:s20] =	ssyncset.done $0x0  }
0x15e: {  	[sflag:s20] =	ssyncadd.s32 $0xFFFFE000  }
0x15f: {  	_ =	swait.ge [sflag:s24], $0x2000  }
0x160: {  	[sflag:s24] =	ssyncset.done $0x0  }
0x161: {  	s16 =	simm.s32 $0x3;
	s15 =	simm.s32 $0x100;
	[sflag:s24] =	ssyncadd.s32 $0xFFFFE000  }
0x162: {  	s31 =	simm.s32 $0x2;
	v9 =	vor.u32 s16, v0;
	v8 =	vld [tilespmem:s15+$0x80]  }
0x163: {  	s25 =	simm.s32 $0x1;
	v13 =	vor.u32 s31, v0;
	v12 =	vld [tilespmem:s15+$0x0]  }
0x164: {  	v11 =	vor.u32 s25, v0;
	v10 =	vld [tilespmem:s15+$0xFFFFFF80];
	_ =	sdelay $0x2  }
0x165: {  	v15 =	vor.u32 s13, v0;
	v14 =	vld [tilespmem:s15+$0xFFFFFF00];
	[tilespmem:v9+s21+$0x0] =	vst.idx.msk $0xffff, v8  }
0x166: {  	v9 =	vor.u32 s16, v1;
	[tilespmem:v13+s21+$0x0] =	vst.idx.msk $0xffff, v12;
	v8 =	vld [tilespmem:s15+$0x90]  }
0x167: {  	[tilespmem:v11+s21+$0x0] =	vst.idx.msk $0xffff, v10;
	v13 =	vor.u32 s31, v1;
	v12 =	vld [tilespmem:s15+$0x10]  }
0x168: {  	v11 =	vor.u32 s25, v1;
	v10 =	vld [tilespmem:s15+$0xFFFFFF90];
	_ =	sdelay $0x1  }
0x169: {  	[tilespmem:v15+s21+$0x0] =	vst.idx.msk $0xffff, v14  }
0x16a: {  	v15 =	vor.u32 s13, v1;
	v14 =	vld [tilespmem:s15+$0xFFFFFF10];
	[tilespmem:v9+s21+$0x0] =	vst.idx.msk $0xffff, v8  }
0x16b: {  	v9 =	vor.u32 s16, v2;
	[tilespmem:v13+s21+$0x0] =	vst.idx.msk $0xffff, v12;
	v8 =	vld [tilespmem:s15+$0xA0]  }
0x16c: {  	[tilespmem:v11+s21+$0x0] =	vst.idx.msk $0xffff, v10;
	v13 =	vor.u32 s31, v2;
	v12 =	vld [tilespmem:s15+$0x20]  }
0x16d: {  	v11 =	vor.u32 s25, v2;
	v10 =	vld [tilespmem:s15+$0xFFFFFFA0];
	_ =	sdelay $0x1  }
0x16e: {  	[tilespmem:v15+s21+$0x0] =	vst.idx.msk $0xffff, v14  }
0x16f: {  	v15 =	vor.u32 s13, v2;
	v14 =	vld [tilespmem:s15+$0xFFFFFF20];
	[tilespmem:v9+s21+$0x0] =	vst.idx.msk $0xffff, v8  }
0x170: {  	v9 =	vor.u32 s16, v3;
	[tilespmem:v13+s21+$0x0] =	vst.idx.msk $0xffff, v12;
	v8 =	vld [tilespmem:s15+$0xB0]  }
0x171: {  	[tilespmem:v11+s21+$0x0] =	vst.idx.msk $0xffff, v10;
	v13 =	vor.u32 s31, v3;
	v12 =	vld [tilespmem:s15+$0x30]  }
0x172: {  	v11 =	vor.u32 s25, v3;
	v10 =	vld [tilespmem:s15+$0xFFFFFFB0];
	_ =	sdelay $0x1  }
0x173: {  	[tilespmem:v15+s21+$0x0] =	vst.idx.msk $0xffff, v14  }
0x174: {  	v15 =	vor.u32 s13, v3;
	v14 =	vld [tilespmem:s15+$0xFFFFFF30];
	[tilespmem:v9+s21+$0x0] =	vst.idx.msk $0xffff, v8  }
0x175: {  	v9 =	vor.u32 s16, v4;
	[tilespmem:v13+s21+$0x0] =	vst.idx.msk $0xffff, v12;
	v8 =	vld [tilespmem:s15+$0xC0]  }
0x176: {  	[tilespmem:v11+s21+$0x0] =	vst.idx.msk $0xffff, v10;
	v13 =	vor.u32 s31, v4;
	v12 =	vld [tilespmem:s15+$0x40]  }
0x177: {  	v11 =	vor.u32 s25, v4;
	v10 =	vld [tilespmem:s15+$0xFFFFFFC0]  }
0x178: {  	s8 =	simm.s32 $0x7;
	s0 =	simm.s32 $0x300  }
0x179: {  	v17 =	vor.u32 s8, v0;
	v16 =	vld [tilespmem:s0+$0x80];
	[tilespmem:v15+s21+$0x0] =	vst.idx.msk $0xffff, v14  }
0x17a: {  	s14 =	simm.s32 $0x5;
	v15 =	vor.u32 s13, v4;
	v14 =	vld [tilespmem:s15+$0xFFFFFF40];
	[tilespmem:v9+s21+$0x0] =	vst.idx.msk $0xffff, v8  }
0x17b: {  	[tilespmem:v13+s21+$0x0] =	vst.idx.msk $0xffff, v12;
	v12 =	vld [tilespmem:s0+$0xFFFFFF80];
	v13 =	vor.u32 s14, v0  }
0x17c: {  	[tilespmem:v11+s21+$0x0] =	vst.idx.msk $0xffff, v10;
	v9 =	vor.u32 s16, v5;
	v8 =	vld [tilespmem:s15+$0xD0]  }
0x17d: {  	v11 =	vor.u32 s25, v5;
	v10 =	vld [tilespmem:s15+$0xFFFFFFD0]  }
0x17e: {  	s3 =	simm.s32 $0x6;
	[tilespmem:v17+s21+$0x0] =	vst.idx.msk $0xffff, v16  }
0x17f: {  	s2 =	simm.s32 $0x4;
	[tilespmem:v15+s21+$0x0] =	vst.idx.msk $0xffff, v14;
	v14 =	vld [tilespmem:s0+$0x0];
	v15 =	vor.u32 s3, v0  }
0x180: {  	v19 =	vor.u32 s2, v0;
	v18 =	vld [tilespmem:s0+$0xFFFFFF00];
	[tilespmem:v13+s21+$0x0] =	vst.idx.msk $0xffff, v12  }
0x181: {  	v12 =	vld [tilespmem:s0+$0x90];
	v13 =	vor.u32 s8, v1;
	[tilespmem:v9+s21+$0x0] =	vst.idx.msk $0xffff, v8  }
0x182: {  	[tilespmem:v11+s21+$0x0] =	vst.idx.msk $0xffff, v10;
	v10 =	vld [tilespmem:s15+$0x50];
	v11 =	vor.u32 s31, v5  }
0x183: {  	v9 =	vor.u32 s16, v6;
	v8 =	vld [tilespmem:s15+$0xE0]  }
0x184: {  	v17 =	vor.u32 s14, v1;
	[tilespmem:v15+s21+$0x0] =	vst.idx.msk $0xffff, v14;
	v16 =	vld [tilespmem:s0+$0xFFFFFF90]  }
0x185: {  	[tilespmem:v19+s21+$0x0] =	vst.idx.msk $0xffff, v18;
	v15 =	vor.u32 s3, v1;
	v14 =	vld [tilespmem:s0+$0x10]  }
0x186: {  	v19 =	vor.u32 s2, v1;
	v18 =	vld [tilespmem:s0+$0xFFFFFF10];
	[tilespmem:v13+s21+$0x0] =	vst.idx.msk $0xffff, v12  }
0x187: {  	v13 =	vor.u32 s8, v2;
	[tilespmem:v11+s21+$0x0] =	vst.idx.msk $0xffff, v10;
	v12 =	vld [tilespmem:s0+$0xA0]  }
0x188: {  	v10 =	vld [tilespmem:s15+$0xFFFFFF50];
	v11 =	vor.u32 s13, v5;
	[tilespmem:v9+s21+$0x0] =	vst.idx.msk $0xffff, v8  }
0x189: {  	[tilespmem:v17+s21+$0x0] =	vst.idx.msk $0xffff, v16;
	v9 =	vor.u32 s16, v7;
	v8 =	vld [tilespmem:s15+$0xF0]  }
0x18a: {  	v17 =	vor.u32 s14, v2;
	[tilespmem:v15+s21+$0x0] =	vst.idx.msk $0xffff, v14;
	v16 =	vld [tilespmem:s0+$0xFFFFFFA0]  }
0x18b: {  	[tilespmem:v19+s21+$0x0] =	vst.idx.msk $0xffff, v18;
	v15 =	vor.u32 s3, v2;
	v14 =	vld [tilespmem:s0+$0x20]  }
0x18c: {  	v19 =	vor.u32 s2, v2;
	v18 =	vld [tilespmem:s0+$0xFFFFFF20];
	[tilespmem:v13+s21+$0x0] =	vst.idx.msk $0xffff, v12  }
0x18d: {  	[tilespmem:v11+s21+$0x0] =	vst.idx.msk $0xffff, v10;
	v13 =	vor.u32 s8, v3;
	v12 =	vld [tilespmem:s0+$0xB0]  }
0x18e: {  	[tilespmem:v9+s21+$0x0] =	vst.idx.msk $0xffff, v8;
	v8 =	vld [tilespmem:s15+$0xFFFFFFE0];
	v9 =	vor.u32 s25, v6  }
0x18f: {  	v10 =	vld [tilespmem:s15+$0x60];
	v11 =	vor.u32 s31, v6;
	[tilespmem:v17+s21+$0x0] =	vst.idx.msk $0xffff, v16  }
0x190: {  	v17 =	vor.u32 s14, v3;
	[tilespmem:v15+s21+$0x0] =	vst.idx.msk $0xffff, v14;
	v16 =	vld [tilespmem:s0+$0xFFFFFFB0]  }
0x191: {  	[tilespmem:v19+s21+$0x0] =	vst.idx.msk $0xffff, v18;
	v15 =	vor.u32 s3, v3;
	v14 =	vld [tilespmem:s0+$0x30]  }
0x192: {  	v19 =	vor.u32 s2, v3;
	v18 =	vld [tilespmem:s0+$0xFFFFFF30];
	[tilespmem:v13+s21+$0x0] =	vst.idx.msk $0xffff, v12  }
0x193: {  	[tilespmem:v9+s21+$0x0] =	vst.idx.msk $0xffff, v8;
	v8 =	vld [tilespmem:s15+$0xFFFFFF60];
	v9 =	vor.u32 s13, v6  }
0x194: {  	[tilespmem:v11+s21+$0x0] =	vst.idx.msk $0xffff, v10;
	v13 =	vor.u32 s8, v4;
	v12 =	vld [tilespmem:s0+$0xC0]  }
0x195: {  	v11 =	vor.u32 s25, v7;
	[tilespmem:v17+s21+$0x0] =	vst.idx.msk $0xffff, v16;
	v10 =	vld [tilespmem:s15+$0xFFFFFFF0]  }
0x196: {  	v63 =	vor.u32 s14, v4;
	[tilespmem:v15+s21+$0x0] =	vst.idx.msk $0xffff, v14;
	v62 =	vld [tilespmem:s0+$0xFFFFFFC0]  }
0x197: {  	[tilespmem:v19+s21+$0x0] =	vst.idx.msk $0xffff, v18;
	v19 =	vor.u32 s3, v4;
	v18 =	vld [tilespmem:s0+$0x40]  }
0x198: {  	v16 =	vld [tilespmem:s0+$0xFFFFFF40];
	v17 =	vor.u32 s2, v4;
	[tilespmem:v9+s21+$0x0] =	vst.idx.msk $0xffff, v8  }
0x199: {  	v15 =	vor.u32 s31, v7;
	v9 =	vld [tilespmem:s15+$0x70];
	[tilespmem:v13+s21+$0x0] =	vst.idx.msk $0xffff, v12  }
0x19a: {  	v14 =	vor.u32 s13, v7;
	[tilespmem:v11+s21+$0x0] =	vst.idx.msk $0xffff, v10;
	v11 =	vld [tilespmem:s15+$0xFFFFFF70]  }
0x19b: {  	s12 =	simm.s32 $0x8;
	[tilespmem:v63+s21+$0x0] =	vst.idx.msk $0xffff, v62;
	v8 =	vld [tilespmem:s0+$0xD0];
	v10 =	vor.u32 s8, v5  }
0x19c: {  	s7 =	simm.s32 $0xC;
	s13 =	simm.s32 $0x500;
	v13 =	vor.u32 s14, v5;
	s15 =	simm.s32 $0xB;
	[tilespmem:v19+s21+$0x0] =	vst.idx.msk $0xffff, v18;
	v12 =	vld [tilespmem:s0+$0xFFFFFFD0]  }
.LBB2_7:
0x19d: {  	p2 =	slt.u32 s7, $0x3C;
	s16 =	sadd.s32 $0x1, s12;
	v18 =	vld [tilespmem:s13+$0x80];
	v19 =	vor.u32 s15, v0;
	[tilespmem:v17+s21+$0x0] =	vst.idx.msk $0xffff, v16  }
0x19e: {  	s9 =	sadd.s32 $0x2, s12;
	v16 =	vld [tilespmem:s13+$0xFFFFFF80];
	v17 =	vor.u32 s16, v0;
	[tilespmem:v15+s21+$0x0] =	vst.idx.msk $0xffff, v9  }
0x19f: {  	v15 =	vor.u32 s9, v0;
	v9 =	vld [tilespmem:s13+$0x0];
	[tilespmem:v14+s21+$0x0] =	vst.idx.msk $0xffff, v11  }
0x1a0: {  	v14 =	vor.u32 s12, v0;
	v11 =	vld [tilespmem:s13+$0xFFFFFF00];
	[tilespmem:v10+s21+$0x0] =	vst.idx.msk $0xffff, v8  }
0x1a1: {  	v10 =	vor.u32 s8, v6;
	[tilespmem:v13+s21+$0x0] =	vst.idx.msk $0xffff, v12;
	v8 =	vld [tilespmem:s0+$0xE0]  }
0x1a2: {  	v13 =	vor.u32 s3, v5;
	[tilespmem:v19+s21+$0x0] =	vst.idx.msk $0xffff, v18;
	v12 =	vld [tilespmem:s0+$0x50]  }
0x1a3: {  	[tilespmem:v17+s21+$0x0] =	vst.idx.msk $0xffff, v16;
	v16 =	vld [tilespmem:s13+$0x90];
	v17 =	vor.u32 s15, v1  }
0x1a4: {  	v19 =	vor.u32 s16, v1;
	v18 =	vld [tilespmem:s13+$0xFFFFFF90];
	[tilespmem:v15+s21+$0x0] =	vst.idx.msk $0xffff, v9  }
0x1a5: {  	[tilespmem:v14+s21+$0x0] =	vst.idx.msk $0xffff, v11;
	v9 =	vld [tilespmem:s13+$0x10];
	v11 =	vor.u32 s9, v1  }
0x1a6: {  	v15 =	vor.u32 s12, v1;
	v14 =	vld [tilespmem:s13+$0xFFFFFF10];
	[tilespmem:v10+s21+$0x0] =	vst.idx.msk $0xffff, v8  }
0x1a7: {  	v10 =	vor.u32 s8, v7;
	s8 =	smov.u32 s15;
	[tilespmem:v13+s21+$0x0] =	vst.idx.msk $0xffff, v12;
	v8 =	vld [tilespmem:s0+$0xF0]  }
0x1a8: {  	v13 =	vor.u32 s2, v5;
	[tilespmem:v17+s21+$0x0] =	vst.idx.msk $0xffff, v16;
	v12 =	vld [tilespmem:s0+$0xFFFFFF50]  }
0x1a9: {  	v17 =	vor.u32 s8, v2;
	[tilespmem:v19+s21+$0x0] =	vst.idx.msk $0xffff, v18;
	v16 =	vld [tilespmem:s13+$0xA0]  }
0x1aa: {  	v19 =	vor.u32 s16, v2;
	v18 =	vld [tilespmem:s13+$0xFFFFFFA0];
	[tilespmem:v11+s21+$0x0] =	vst.idx.msk $0xffff, v9  }
0x1ab: {  	v11 =	vor.u32 s9, v2;
	[tilespmem:v15+s21+$0x0] =	vst.idx.msk $0xffff, v14;
	v9 =	vld [tilespmem:s13+$0x20]  }
0x1ac: {  	v15 =	vor.u32 s12, v2;
	v14 =	vld [tilespmem:s13+$0xFFFFFF20];
	[tilespmem:v10+s21+$0x0] =	vst.idx.msk $0xffff, v8  }
0x1ad: {  	v10 =	vor.u32 s14, v6;
	[tilespmem:v13+s21+$0x0] =	vst.idx.msk $0xffff, v12;
	v8 =	vld [tilespmem:s0+$0xFFFFFFE0]  }
0x1ae: {  	v13 =	vor.u32 s3, v6;
	[tilespmem:v17+s21+$0x0] =	vst.idx.msk $0xffff, v16;
	v12 =	vld [tilespmem:s0+$0x60]  }
0x1af: {  	v17 =	vor.u32 s8, v3;
	[tilespmem:v19+s21+$0x0] =	vst.idx.msk $0xffff, v18;
	v16 =	vld [tilespmem:s13+$0xB0]  }
0x1b0: {  	v19 =	vor.u32 s16, v3;
	v18 =	vld [tilespmem:s13+$0xFFFFFFB0];
	[tilespmem:v11+s21+$0x0] =	vst.idx.msk $0xffff, v9  }
0x1b1: {  	v11 =	vor.u32 s9, v3;
	[tilespmem:v15+s21+$0x0] =	vst.idx.msk $0xffff, v14;
	v9 =	vld [tilespmem:s13+$0x30]  }
0x1b2: {  	v15 =	vor.u32 s12, v3;
	v14 =	vld [tilespmem:s13+$0xFFFFFF30];
	[tilespmem:v10+s21+$0x0] =	vst.idx.msk $0xffff, v8  }
0x1b3: {  	v10 =	vor.u32 s2, v6;
	v8 =	vld [tilespmem:s0+$0xFFFFFF60];
	[tilespmem:v13+s21+$0x0] =	vst.idx.msk $0xffff, v12  }
0x1b4: {  	v13 =	vor.u32 s14, v7;
	s14 =	smov.u32 s16;
	[tilespmem:v17+s21+$0x0] =	vst.idx.msk $0xffff, v16;
	v12 =	vld [tilespmem:s0+$0xFFFFFFF0]  }
0x1b5: {  	[tilespmem:v19+s21+$0x0] =	vst.idx.msk $0xffff, v18;
	v18 =	vld [tilespmem:s13+$0xC0];
	v19 =	vor.u32 s8, v4  }
0x1b6: {  	v21 =	vor.u32 s14, v4;
	v20 =	vld [tilespmem:s13+$0xFFFFFFC0];
	[tilespmem:v11+s21+$0x0] =	vst.idx.msk $0xffff, v9  }
0x1b7: {  	v23 =	vor.u32 s9, v4;
	[tilespmem:v15+s21+$0x0] =	vst.idx.msk $0xffff, v14;
	v22 =	vld [tilespmem:s13+$0x40]  }
.Ltmp4:
0x1b8: {  	v17 =	vor.u32 s12, v4;
	v16 =	vld [tilespmem:s13+$0xFFFFFF40];
	[tilespmem:v10+s21+$0x0] =	vst.idx.msk $0xffff, v8;
	(pc) =	sbr.rel @p2 .LBB2_7-.Ltmp4, $4  }
0x1b9: {  	v15 =	vor.u32 s3, v7;
	s3 =	smov.u32 s9;
	[tilespmem:v13+s21+$0x0] =	vst.idx.msk $0xffff, v12;
	v9 =	vld [tilespmem:s0+$0x70]  }
0x1ba: {  	v14 =	vor.u32 s2, v7;
	s2 =	smov.u32 s12;
	s12 =	smov.u32 s7;
	[tilespmem:v19+s21+$0x0] =	vst.idx.msk $0xffff, v18;
	v11 =	vld [tilespmem:s0+$0xFFFFFF70];
	s0 =	smov.u32 s13  }
0x1bb: {  	v10 =	vor.u32 s8, v5;
	[tilespmem:v21+s21+$0x0] =	vst.idx.msk $0xffff, v20;
	v8 =	vld [tilespmem:s13+$0xD0]  }
0x1bc: {  	s7 =	sadd.s32 $0x4, s7;
	s15 =	sadd.s32 $0x3, s12;
	v13 =	vor.u32 s14, v5;
	s13 =	sadd.s32 $0x200, s13;
	v12 =	vld [tilespmem:s0+$0xFFFFFFD0];
	[tilespmem:v23+s21+$0x0] =	vst.idx.msk $0xffff, v22  }
0x1bd: {  	v18 =	vld [tilespmem:s13+$0x80];
	v19 =	vor.u32 s15, v0  }
0x1be: {  	s7 =	sadd.s32 $0x1, s12;
	v24 =	vld [tilespmem:s13+$0xFFFFFF00];
	v25 =	vor.u32 s12, v0  }
0x1bf: {  	v20 =	vld [tilespmem:s13+$0xFFFFFF80];
	s9 =	sadd.s32 $0x2, s12;
	v21 =	vor.u32 s7, v0  }
0x1c0: {  	v22 =	vld [tilespmem:s13+$0x0];
	v23 =	vor.u32 s9, v0  }
0x1c1: {  	[tilespmem:v17+s21+$0x0] =	vst.idx.msk $0xffff, v16  }
0x1c2: {  	[tilespmem:v19+s21+$0x0] =	vst.idx.msk $0xffff, v18  }
0x1c3: {  	v52 =	vor.u32 s15, v1;
	[tilespmem:v25+s21+$0x0] =	vst.idx.msk $0xffff, v24;
	v51 =	vld [tilespmem:s13+$0x90]  }
0x1c4: {  	v58 =	vor.u32 s12, v1;
	[tilespmem:v21+s21+$0x0] =	vst.idx.msk $0xffff, v20;
	v57 =	vld [tilespmem:s13+$0xFFFFFF10]  }
0x1c5: {  	v54 =	vor.u32 s7, v1;
	[tilespmem:v23+s21+$0x0] =	vst.idx.msk $0xffff, v22;
	v53 =	vld [tilespmem:s13+$0xFFFFFF90]  }
0x1c6: {  	v56 =	vor.u32 s9, v1;
	[tilespmem:v15+s21+$0x0] =	vst.idx.msk $0xffff, v9;
	v55 =	vld [tilespmem:s13+$0x10]  }
0x1c7: {  	[tilespmem:v10+s21+$0x0] =	vst.idx.msk $0xffff, v8  }
0x1c8: {  	[tilespmem:v52+s21+$0x0] =	vst.idx.msk $0xffff, v51  }
0x1c9: {  	v60 =	vor.u32 s15, v2;
	[tilespmem:v58+s21+$0x0] =	vst.idx.msk $0xffff, v57;
	v59 =	vld [tilespmem:s13+$0xA0]  }
0x1ca: {  	v22 =	vor.u32 s12, v2;
	[tilespmem:v54+s21+$0x0] =	vst.idx.msk $0xffff, v53;
	v8 =	vld [tilespmem:s13+$0xFFFFFF20]  }
0x1cb: {  	v62 =	vor.u32 s7, v2;
	[tilespmem:v56+s21+$0x0] =	vst.idx.msk $0xffff, v55;
	v61 =	vld [tilespmem:s13+$0xFFFFFFA0]  }
0x1cc: {  	[tilespmem:v14+s21+$0x0] =	vst.idx.msk $0xffff, v11;
	v21 =	vor.u32 s9, v2;
	v63 =	vld [tilespmem:s13+$0x20]  }
0x1cd: {  	v33 =	vor.u32 s2, v5;
	v32 =	vld [tilespmem:s0+$0xFFFFFF50];
	[tilespmem:v13+s21+$0x0] =	vst.idx.msk $0xffff, v12  }
0x1ce: {  	v26 =	vor.u32 s3, v5;
	v25 =	vld [tilespmem:s0+$0x50];
	[tilespmem:v60+s21+$0x0] =	vst.idx.msk $0xffff, v59  }
0x1cf: {  	v27 =	vor.u32 s15, v3;
	[tilespmem:v22+s21+$0x0] =	vst.idx.msk $0xffff, v8;
	v11 =	vld [tilespmem:s13+$0xB0]  }
0x1d0: {  	v30 =	vor.u32 s12, v3;
	[tilespmem:v62+s21+$0x0] =	vst.idx.msk $0xffff, v61;
	v10 =	vld [tilespmem:s13+$0xFFFFFF30]  }
0x1d1: {  	v28 =	vor.u32 s7, v3;
	[tilespmem:v21+s21+$0x0] =	vst.idx.msk $0xffff, v63;
	v16 =	vld [tilespmem:s13+$0xFFFFFFB0]  }
0x1d2: {  	v29 =	vor.u32 s9, v3;
	[tilespmem:v33+s21+$0x0] =	vst.idx.msk $0xffff, v32;
	v8 =	vld [tilespmem:s13+$0x30]  }
0x1d3: {  	v39 =	vor.u32 s14, v6;
	v38 =	vld [tilespmem:s0+$0xFFFFFFE0];
	[tilespmem:v26+s21+$0x0] =	vst.idx.msk $0xffff, v25  }
0x1d4: {  	v24 =	vor.u32 s8, v6;
	v23 =	vld [tilespmem:s0+$0xE0];
	[tilespmem:v27+s21+$0x0] =	vst.idx.msk $0xffff, v11  }
0x1d5: {  	v34 =	vor.u32 s15, v4;
	[tilespmem:v30+s21+$0x0] =	vst.idx.msk $0xffff, v10;
	v11 =	vld [tilespmem:s13+$0xC0]  }
0x1d6: {  	v37 =	vor.u32 s12, v4;
	[tilespmem:v28+s21+$0x0] =	vst.idx.msk $0xffff, v16;
	v10 =	vld [tilespmem:s13+$0xFFFFFF40]  }
0x1d7: {  	v35 =	vor.u32 s7, v4;
	[tilespmem:v29+s21+$0x0] =	vst.idx.msk $0xffff, v8;
	v16 =	vld [tilespmem:s13+$0xFFFFFFC0]  }
0x1d8: {  	v36 =	vor.u32 s9, v4;
	[tilespmem:v39+s21+$0x0] =	vst.idx.msk $0xffff, v38;
	v8 =	vld [tilespmem:s13+$0x40]  }
0x1d9: {  	v47 =	vor.u32 s2, v6;
	v46 =	vld [tilespmem:s0+$0xFFFFFF60];
	[tilespmem:v24+s21+$0x0] =	vst.idx.msk $0xffff, v23  }
0x1da: {  	v41 =	vor.u32 s3, v6;
	v40 =	vld [tilespmem:s0+$0x60];
	[tilespmem:v34+s21+$0x0] =	vst.idx.msk $0xffff, v11  }
0x1db: {  	v42 =	vor.u32 s15, v5;
	[tilespmem:v37+s21+$0x0] =	vst.idx.msk $0xffff, v10;
	v11 =	vld [tilespmem:s13+$0xD0]  }
0x1dc: {  	v45 =	vor.u32 s12, v5;
	[tilespmem:v35+s21+$0x0] =	vst.idx.msk $0xffff, v16;
	v10 =	vld [tilespmem:s13+$0xFFFFFF50]  }
0x1dd: {  	v43 =	vor.u32 s7, v5;
	[tilespmem:v36+s21+$0x0] =	vst.idx.msk $0xffff, v8;
	v16 =	vld [tilespmem:s13+$0xFFFFFFD0]  }
0x1de: {  	v44 =	vor.u32 s9, v5;
	[tilespmem:v47+s21+$0x0] =	vst.idx.msk $0xffff, v46;
	v8 =	vld [tilespmem:s13+$0x50]  }
0x1df: {  	v49 =	vor.u32 s14, v7;
	v48 =	vld [tilespmem:s0+$0xFFFFFFF0];
	[tilespmem:v41+s21+$0x0] =	vst.idx.msk $0xffff, v40  }
0x1e0: {  	v31 =	vor.u32 s8, v7;
	v13 =	vld [tilespmem:s0+$0xF0];
	[tilespmem:v42+s21+$0x0] =	vst.idx.msk $0xffff, v11  }
0x1e1: {  	v50 =	vor.u32 s15, v6;
	[tilespmem:v45+s21+$0x0] =	vst.idx.msk $0xffff, v10;
	v11 =	vld [tilespmem:s13+$0xE0]  }
0x1e2: {  	v55 =	vor.u32 s12, v6;
	[tilespmem:v43+s21+$0x0] =	vst.idx.msk $0xffff, v16;
	v54 =	vld [tilespmem:s13+$0xFFFFFF60]  }
0x1e3: {  	v51 =	vor.u32 s7, v6;
	[tilespmem:v44+s21+$0x0] =	vst.idx.msk $0xffff, v8;
	v8 =	vld [tilespmem:s13+$0xFFFFFFE0]  }
0x1e4: {  	v53 =	vor.u32 s9, v6;
	[tilespmem:v49+s21+$0x0] =	vst.idx.msk $0xffff, v48;
	v52 =	vld [tilespmem:s13+$0x60]  }
0x1e5: {  	v57 =	vor.u32 s3, v7;
	[tilespmem:v31+s21+$0x0] =	vst.idx.msk $0xffff, v13;
	v56 =	vld [tilespmem:s0+$0x70]  }
0x1e6: {  	v58 =	vld [tilespmem:s0+$0xFFFFFF70];
	v59 =	vor.u32 s2, v7;
	[tilespmem:v50+s21+$0x0] =	vst.idx.msk $0xffff, v11  }
0x1e7: {  	v60 =	vor.u32 s15, v7;
	[tilespmem:v55+s21+$0x0] =	vst.idx.msk $0xffff, v54;
	v11 =	vld [tilespmem:s13+$0xF0]  }
0x1e8: {  	v63 =	vor.u32 s12, v7;
	[tilespmem:v51+s21+$0x0] =	vst.idx.msk $0xffff, v8;
	v13 =	vld [tilespmem:s13+$0xFFFFFF70]  }
0x1e9: {  	v61 =	vor.u32 s7, v7;
	[tilespmem:v53+s21+$0x0] =	vst.idx.msk $0xffff, v52;
	v8 =	vld [tilespmem:s13+$0xFFFFFFF0]  }
0x1ea: {  	s29 =	sadd.s32 $0x1, s29;
	v62 =	vor.u32 s9, v7;
	[tilespmem:v57+s21+$0x0] =	vst.idx.msk $0xffff, v56;
	v10 =	vld [tilespmem:s13+$0x70]  }
0x1eb: {  	p2 =	sne.s32 s29, $0x79;
	[tilespmem:v59+s21+$0x0] =	vst.idx.msk $0xffff, v58  }
.Ltmp5:
0x1ec: {  	[tilespmem:v60+s21+$0x0] =	vst.idx.msk $0xffff, v11;
	(pc) =	sbr.rel @p2 .LBB2_4-.Ltmp5, $4  }
0x1ed: {  	[tilespmem:v63+s21+$0x0] =	vst.idx.msk $0xffff, v13  }
0x1ee: {  	s31 =	sshll.u32 s30, $0xA;
	[tilespmem:v61+s21+$0x0] =	vst.idx.msk $0xffff, v8  }
0x1ef: {  	s0 =	sadd.s32 s6, s31;
	[tilespmem:v62+s21+$0x0] =	vst.idx.msk $0xffff, v10  }
0x1f0: {  	[hbm4b:s0+s4] =	stream.linear.scatter [tilespmem:s21], [sflag:$0x3], $0x2000, $0x38;
	[tilespmem:$0x9000] =	vst v63  }
0x1f1: {  	s0 =	simm.s32 @!p0 $0x400  }
0x1f2: {  	s2 =	simm.s32 @!p0 $0x7A1400;
	s3 =	simm.s32 @!p0 $0x0;
	s7 =	rddreg [dreg:$0x7]  }
0x1f3: {  	[tilespmem:s3], [sflag:$0x1] =	stream.strided.gather @!p0 [hbm4b:s7+s0], $0x2000, s2, s0, $0x38;
	[tilespmem:$0x9000] =	vst v63  }
0x1f4: {  	_ =	swait.ge [sflag:s22], $0x2000  }
0x1f5: {  	[sflag:s22] =	ssyncset.done $0x0  }
0x1f6: {  	s25 =	simm.s32 $0x4;
	[sflag:s22] =	ssyncadd.s32 $0xFFFFE000  }
0x1f7: {  	_ =	swait.ge [sflag:s25], $0x2000  }
0x1f8: {  	[sflag:s25] =	ssyncset.done $0x0  }
0x1f9: {  	s12 =	simm.s32 $0x2100;
	s9 =	simm.s32 $0x3;
	[sflag:s25] =	ssyncadd.s32 $0xFFFFE000  }
0x1fa: {  	s15 =	simm.s32 $0x2;
	v9 =	vor.u32 s9, v0;
	v8 =	vld [tilespmem:s12+$0x80]  }
0x1fb: {  	s31 =	simm.s32 $0x1;
	v13 =	vor.u32 s15, v0;
	v12 =	vld [tilespmem:s12+$0x0]  }
0x1fc: {  	v11 =	vor.u32 s31, v0;
	v10 =	vld [tilespmem:s12+$0xFFFFFF80];
	_ =	sdelay $0x1  }
0x1fd: {  	s13 =	simm.s32 $0x0  }
0x1fe: {  	v15 =	vor.u32 s13, v0;
	v14 =	vld [tilespmem:s12+$0xFFFFFF00];
	[tilespmem:v9+s23+$0x0] =	vst.idx.msk $0xffff, v8  }
0x1ff: {  	v9 =	vor.u32 s9, v1;
	[tilespmem:v13+s23+$0x0] =	vst.idx.msk $0xffff, v12;
	v8 =	vld [tilespmem:s12+$0x90]  }
0x200: {  	[tilespmem:v11+s23+$0x0] =	vst.idx.msk $0xffff, v10;
	v13 =	vor.u32 s15, v1;
	v12 =	vld [tilespmem:s12+$0x10]  }
0x201: {  	v11 =	vor.u32 s31, v1;
	v10 =	vld [tilespmem:s12+$0xFFFFFF90];
	_ =	sdelay $0x1  }
0x202: {  	[tilespmem:v15+s23+$0x0] =	vst.idx.msk $0xffff, v14  }
0x203: {  	v15 =	vor.u32 s13, v1;
	v14 =	vld [tilespmem:s12+$0xFFFFFF10];
	[tilespmem:v9+s23+$0x0] =	vst.idx.msk $0xffff, v8  }
0x204: {  	v9 =	vor.u32 s9, v2;
	[tilespmem:v13+s23+$0x0] =	vst.idx.msk $0xffff, v12;
	v8 =	vld [tilespmem:s12+$0xA0]  }
0x205: {  	[tilespmem:v11+s23+$0x0] =	vst.idx.msk $0xffff, v10;
	v13 =	vor.u32 s15, v2;
	v12 =	vld [tilespmem:s12+$0x20]  }
0x206: {  	v11 =	vor.u32 s31, v2;
	v10 =	vld [tilespmem:s12+$0xFFFFFFA0];
	_ =	sdelay $0x1  }
0x207: {  	[tilespmem:v15+s23+$0x0] =	vst.idx.msk $0xffff, v14  }
0x208: {  	v15 =	vor.u32 s13, v2;
	v14 =	vld [tilespmem:s12+$0xFFFFFF20];
	[tilespmem:v9+s23+$0x0] =	vst.idx.msk $0xffff, v8  }
0x209: {  	v9 =	vor.u32 s9, v3;
	[tilespmem:v13+s23+$0x0] =	vst.idx.msk $0xffff, v12;
	v8 =	vld [tilespmem:s12+$0xB0]  }
0x20a: {  	[tilespmem:v11+s23+$0x0] =	vst.idx.msk $0xffff, v10;
	v13 =	vor.u32 s15, v3;
	v12 =	vld [tilespmem:s12+$0x30]  }
0x20b: {  	v11 =	vor.u32 s31, v3;
	v10 =	vld [tilespmem:s12+$0xFFFFFFB0];
	_ =	sdelay $0x1  }
0x20c: {  	[tilespmem:v15+s23+$0x0] =	vst.idx.msk $0xffff, v14  }
0x20d: {  	v15 =	vor.u32 s13, v3;
	v14 =	vld [tilespmem:s12+$0xFFFFFF30];
	[tilespmem:v9+s23+$0x0] =	vst.idx.msk $0xffff, v8  }
0x20e: {  	v9 =	vor.u32 s9, v4;
	[tilespmem:v13+s23+$0x0] =	vst.idx.msk $0xffff, v12;
	v8 =	vld [tilespmem:s12+$0xC0]  }
0x20f: {  	[tilespmem:v11+s23+$0x0] =	vst.idx.msk $0xffff, v10;
	v13 =	vor.u32 s15, v4;
	v12 =	vld [tilespmem:s12+$0x40]  }
0x210: {  	v11 =	vor.u32 s31, v4;
	v10 =	vld [tilespmem:s12+$0xFFFFFFC0]  }
0x211: {  	s8 =	simm.s32 $0x7;
	s0 =	simm.s32 $0x2300  }
0x212: {  	v17 =	vor.u32 s8, v0;
	v16 =	vld [tilespmem:s0+$0x80];
	[tilespmem:v15+s23+$0x0] =	vst.idx.msk $0xffff, v14  }
0x213: {  	s14 =	simm.s32 $0x5;
	v15 =	vor.u32 s13, v4;
	v14 =	vld [tilespmem:s12+$0xFFFFFF40];
	[tilespmem:v9+s23+$0x0] =	vst.idx.msk $0xffff, v8  }
0x214: {  	[tilespmem:v13+s23+$0x0] =	vst.idx.msk $0xffff, v12;
	v12 =	vld [tilespmem:s0+$0xFFFFFF80];
	v13 =	vor.u32 s14, v0  }
0x215: {  	[tilespmem:v11+s23+$0x0] =	vst.idx.msk $0xffff, v10;
	v9 =	vor.u32 s9, v5;
	v8 =	vld [tilespmem:s12+$0xD0]  }
0x216: {  	v11 =	vor.u32 s31, v5;
	v10 =	vld [tilespmem:s12+$0xFFFFFFD0]  }
0x217: {  	s3 =	simm.s32 $0x6;
	[tilespmem:v17+s23+$0x0] =	vst.idx.msk $0xffff, v16  }
0x218: {  	s2 =	simm.s32 $0x4;
	[tilespmem:v15+s23+$0x0] =	vst.idx.msk $0xffff, v14;
	v14 =	vld [tilespmem:s0+$0x0];
	v15 =	vor.u32 s3, v0  }
0x219: {  	v19 =	vor.u32 s2, v0;
	v18 =	vld [tilespmem:s0+$0xFFFFFF00];
	[tilespmem:v13+s23+$0x0] =	vst.idx.msk $0xffff, v12  }
0x21a: {  	v12 =	vld [tilespmem:s0+$0x90];
	v13 =	vor.u32 s8, v1;
	[tilespmem:v9+s23+$0x0] =	vst.idx.msk $0xffff, v8  }
0x21b: {  	[tilespmem:v11+s23+$0x0] =	vst.idx.msk $0xffff, v10;
	v10 =	vld [tilespmem:s12+$0x50];
	v11 =	vor.u32 s15, v5  }
0x21c: {  	v9 =	vor.u32 s9, v6;
	v8 =	vld [tilespmem:s12+$0xE0]  }
0x21d: {  	v17 =	vor.u32 s14, v1;
	[tilespmem:v15+s23+$0x0] =	vst.idx.msk $0xffff, v14;
	v16 =	vld [tilespmem:s0+$0xFFFFFF90]  }
0x21e: {  	[tilespmem:v19+s23+$0x0] =	vst.idx.msk $0xffff, v18;
	v15 =	vor.u32 s3, v1;
	v14 =	vld [tilespmem:s0+$0x10]  }
0x21f: {  	v19 =	vor.u32 s2, v1;
	v18 =	vld [tilespmem:s0+$0xFFFFFF10];
	[tilespmem:v13+s23+$0x0] =	vst.idx.msk $0xffff, v12  }
0x220: {  	v13 =	vor.u32 s8, v2;
	[tilespmem:v11+s23+$0x0] =	vst.idx.msk $0xffff, v10;
	v12 =	vld [tilespmem:s0+$0xA0]  }
0x221: {  	v10 =	vld [tilespmem:s12+$0xFFFFFF50];
	v11 =	vor.u32 s13, v5;
	[tilespmem:v9+s23+$0x0] =	vst.idx.msk $0xffff, v8  }
0x222: {  	[tilespmem:v17+s23+$0x0] =	vst.idx.msk $0xffff, v16;
	v9 =	vor.u32 s9, v7;
	v8 =	vld [tilespmem:s12+$0xF0]  }
0x223: {  	v17 =	vor.u32 s14, v2;
	[tilespmem:v15+s23+$0x0] =	vst.idx.msk $0xffff, v14;
	v16 =	vld [tilespmem:s0+$0xFFFFFFA0]  }
0x224: {  	[tilespmem:v19+s23+$0x0] =	vst.idx.msk $0xffff, v18;
	v15 =	vor.u32 s3, v2;
	v14 =	vld [tilespmem:s0+$0x20]  }
0x225: {  	v19 =	vor.u32 s2, v2;
	v18 =	vld [tilespmem:s0+$0xFFFFFF20];
	[tilespmem:v13+s23+$0x0] =	vst.idx.msk $0xffff, v12  }
0x226: {  	[tilespmem:v11+s23+$0x0] =	vst.idx.msk $0xffff, v10;
	v13 =	vor.u32 s8, v3;
	v12 =	vld [tilespmem:s0+$0xB0]  }
0x227: {  	[tilespmem:v9+s23+$0x0] =	vst.idx.msk $0xffff, v8;
	v8 =	vld [tilespmem:s12+$0xFFFFFFE0];
	v9 =	vor.u32 s31, v6  }
0x228: {  	v10 =	vld [tilespmem:s12+$0x60];
	v11 =	vor.u32 s15, v6;
	[tilespmem:v17+s23+$0x0] =	vst.idx.msk $0xffff, v16  }
0x229: {  	v17 =	vor.u32 s14, v3;
	[tilespmem:v15+s23+$0x0] =	vst.idx.msk $0xffff, v14;
	v16 =	vld [tilespmem:s0+$0xFFFFFFB0]  }
0x22a: {  	[tilespmem:v19+s23+$0x0] =	vst.idx.msk $0xffff, v18;
	v15 =	vor.u32 s3, v3;
	v14 =	vld [tilespmem:s0+$0x30]  }
0x22b: {  	v19 =	vor.u32 s2, v3;
	v18 =	vld [tilespmem:s0+$0xFFFFFF30];
	[tilespmem:v13+s23+$0x0] =	vst.idx.msk $0xffff, v12  }
0x22c: {  	[tilespmem:v9+s23+$0x0] =	vst.idx.msk $0xffff, v8;
	v8 =	vld [tilespmem:s12+$0xFFFFFF60];
	v9 =	vor.u32 s13, v6  }
0x22d: {  	[tilespmem:v11+s23+$0x0] =	vst.idx.msk $0xffff, v10;
	v13 =	vor.u32 s8, v4;
	v12 =	vld [tilespmem:s0+$0xC0]  }
0x22e: {  	v11 =	vor.u32 s31, v7;
	[tilespmem:v17+s23+$0x0] =	vst.idx.msk $0xffff, v16;
	v10 =	vld [tilespmem:s12+$0xFFFFFFF0]  }
0x22f: {  	v21 =	vor.u32 s14, v4;
	[tilespmem:v15+s23+$0x0] =	vst.idx.msk $0xffff, v14;
	v20 =	vld [tilespmem:s0+$0xFFFFFFC0]  }
0x230: {  	[tilespmem:v19+s23+$0x0] =	vst.idx.msk $0xffff, v18;
	v19 =	vor.u32 s3, v4;
	v18 =	vld [tilespmem:s0+$0x40]  }
0x231: {  	v16 =	vld [tilespmem:s0+$0xFFFFFF40];
	v17 =	vor.u32 s2, v4;
	[tilespmem:v9+s23+$0x0] =	vst.idx.msk $0xffff, v8  }
0x232: {  	v15 =	vor.u32 s15, v7;
	v9 =	vld [tilespmem:s12+$0x70];
	[tilespmem:v13+s23+$0x0] =	vst.idx.msk $0xffff, v12  }
0x233: {  	v14 =	vor.u32 s13, v7;
	[tilespmem:v11+s23+$0x0] =	vst.idx.msk $0xffff, v10;
	v11 =	vld [tilespmem:s12+$0xFFFFFF70]  }
0x234: {  	s7 =	simm.s32 $0xC;
	[tilespmem:v21+s23+$0x0] =	vst.idx.msk $0xffff, v20;
	v8 =	vld [tilespmem:s0+$0xD0];
	v10 =	vor.u32 s8, v5  }
0x235: {  	s15 =	simm.s32 $0xB;
	s13 =	simm.s32 $0x2500;
	v13 =	vor.u32 s14, v5;
	s12 =	simm.s32 $0x8;
	[tilespmem:v19+s23+$0x0] =	vst.idx.msk $0xffff, v18;
	v12 =	vld [tilespmem:s0+$0xFFFFFFD0]  }
.LBB2_10:
0x236: {  	p2 =	slt.u32 s7, $0x3C;
	s16 =	sadd.s32 $0x1, s12;
	v18 =	vld [tilespmem:s13+$0x80];
	v19 =	vor.u32 s15, v0;
	[tilespmem:v17+s23+$0x0] =	vst.idx.msk $0xffff, v16  }
0x237: {  	s9 =	sadd.s32 $0x2, s12;
	v16 =	vld [tilespmem:s13+$0xFFFFFF80];
	v17 =	vor.u32 s16, v0;
	[tilespmem:v15+s23+$0x0] =	vst.idx.msk $0xffff, v9  }
0x238: {  	v15 =	vor.u32 s9, v0;
	v9 =	vld [tilespmem:s13+$0x0];
	[tilespmem:v14+s23+$0x0] =	vst.idx.msk $0xffff, v11  }
0x239: {  	v14 =	vor.u32 s12, v0;
	v11 =	vld [tilespmem:s13+$0xFFFFFF00];
	[tilespmem:v10+s23+$0x0] =	vst.idx.msk $0xffff, v8  }
0x23a: {  	v10 =	vor.u32 s8, v6;
	[tilespmem:v13+s23+$0x0] =	vst.idx.msk $0xffff, v12;
	v8 =	vld [tilespmem:s0+$0xE0]  }
0x23b: {  	v13 =	vor.u32 s3, v5;
	[tilespmem:v19+s23+$0x0] =	vst.idx.msk $0xffff, v18;
	v12 =	vld [tilespmem:s0+$0x50]  }
0x23c: {  	[tilespmem:v17+s23+$0x0] =	vst.idx.msk $0xffff, v16;
	v16 =	vld [tilespmem:s13+$0x90];
	v17 =	vor.u32 s15, v1  }
0x23d: {  	v19 =	vor.u32 s16, v1;
	v18 =	vld [tilespmem:s13+$0xFFFFFF90];
	[tilespmem:v15+s23+$0x0] =	vst.idx.msk $0xffff, v9  }
0x23e: {  	[tilespmem:v14+s23+$0x0] =	vst.idx.msk $0xffff, v11;
	v9 =	vld [tilespmem:s13+$0x10];
	v11 =	vor.u32 s9, v1  }
0x23f: {  	v15 =	vor.u32 s12, v1;
	v14 =	vld [tilespmem:s13+$0xFFFFFF10];
	[tilespmem:v10+s23+$0x0] =	vst.idx.msk $0xffff, v8  }
0x240: {  	v10 =	vor.u32 s8, v7;
	s8 =	smov.u32 s15;
	[tilespmem:v13+s23+$0x0] =	vst.idx.msk $0xffff, v12;
	v8 =	vld [tilespmem:s0+$0xF0]  }
0x241: {  	v13 =	vor.u32 s2, v5;
	[tilespmem:v17+s23+$0x0] =	vst.idx.msk $0xffff, v16;
	v12 =	vld [tilespmem:s0+$0xFFFFFF50]  }
0x242: {  	v17 =	vor.u32 s8, v2;
	[tilespmem:v19+s23+$0x0] =	vst.idx.msk $0xffff, v18;
	v16 =	vld [tilespmem:s13+$0xA0]  }
0x243: {  	v19 =	vor.u32 s16, v2;
	v18 =	vld [tilespmem:s13+$0xFFFFFFA0];
	[tilespmem:v11+s23+$0x0] =	vst.idx.msk $0xffff, v9  }
0x244: {  	v11 =	vor.u32 s9, v2;
	[tilespmem:v15+s23+$0x0] =	vst.idx.msk $0xffff, v14;
	v9 =	vld [tilespmem:s13+$0x20]  }
0x245: {  	v15 =	vor.u32 s12, v2;
	v14 =	vld [tilespmem:s13+$0xFFFFFF20];
	[tilespmem:v10+s23+$0x0] =	vst.idx.msk $0xffff, v8  }
0x246: {  	v10 =	vor.u32 s14, v6;
	[tilespmem:v13+s23+$0x0] =	vst.idx.msk $0xffff, v12;
	v8 =	vld [tilespmem:s0+$0xFFFFFFE0]  }
0x247: {  	v13 =	vor.u32 s3, v6;
	[tilespmem:v17+s23+$0x0] =	vst.idx.msk $0xffff, v16;
	v12 =	vld [tilespmem:s0+$0x60]  }
0x248: {  	v17 =	vor.u32 s8, v3;
	[tilespmem:v19+s23+$0x0] =	vst.idx.msk $0xffff, v18;
	v16 =	vld [tilespmem:s13+$0xB0]  }
0x249: {  	v19 =	vor.u32 s16, v3;
	v18 =	vld [tilespmem:s13+$0xFFFFFFB0];
	[tilespmem:v11+s23+$0x0] =	vst.idx.msk $0xffff, v9  }
0x24a: {  	v11 =	vor.u32 s9, v3;
	[tilespmem:v15+s23+$0x0] =	vst.idx.msk $0xffff, v14;
	v9 =	vld [tilespmem:s13+$0x30]  }
0x24b: {  	v15 =	vor.u32 s12, v3;
	v14 =	vld [tilespmem:s13+$0xFFFFFF30];
	[tilespmem:v10+s23+$0x0] =	vst.idx.msk $0xffff, v8  }
0x24c: {  	v10 =	vor.u32 s2, v6;
	v8 =	vld [tilespmem:s0+$0xFFFFFF60];
	[tilespmem:v13+s23+$0x0] =	vst.idx.msk $0xffff, v12  }
0x24d: {  	v13 =	vor.u32 s14, v7;
	s14 =	smov.u32 s16;
	[tilespmem:v17+s23+$0x0] =	vst.idx.msk $0xffff, v16;
	v12 =	vld [tilespmem:s0+$0xFFFFFFF0]  }
0x24e: {  	[tilespmem:v19+s23+$0x0] =	vst.idx.msk $0xffff, v18;
	v18 =	vld [tilespmem:s13+$0xC0];
	v19 =	vor.u32 s8, v4  }
0x24f: {  	v21 =	vor.u32 s14, v4;
	v20 =	vld [tilespmem:s13+$0xFFFFFFC0];
	[tilespmem:v11+s23+$0x0] =	vst.idx.msk $0xffff, v9  }
0x250: {  	v23 =	vor.u32 s9, v4;
	[tilespmem:v15+s23+$0x0] =	vst.idx.msk $0xffff, v14;
	v22 =	vld [tilespmem:s13+$0x40]  }
.Ltmp6:
0x251: {  	v17 =	vor.u32 s12, v4;
	v16 =	vld [tilespmem:s13+$0xFFFFFF40];
	[tilespmem:v10+s23+$0x0] =	vst.idx.msk $0xffff, v8;
	(pc) =	sbr.rel @p2 .LBB2_10-.Ltmp6, $4  }
0x252: {  	v15 =	vor.u32 s3, v7;
	s3 =	smov.u32 s9;
	[tilespmem:v13+s23+$0x0] =	vst.idx.msk $0xffff, v12;
	v9 =	vld [tilespmem:s0+$0x70]  }
0x253: {  	v14 =	vor.u32 s2, v7;
	s2 =	smov.u32 s12;
	s12 =	smov.u32 s7;
	[tilespmem:v19+s23+$0x0] =	vst.idx.msk $0xffff, v18;
	v11 =	vld [tilespmem:s0+$0xFFFFFF70];
	s0 =	smov.u32 s13  }
0x254: {  	v10 =	vor.u32 s8, v5;
	[tilespmem:v21+s23+$0x0] =	vst.idx.msk $0xffff, v20;
	v8 =	vld [tilespmem:s13+$0xD0]  }
0x255: {  	s7 =	sadd.s32 $0x4, s7;
	s15 =	sadd.s32 $0x3, s12;
	v13 =	vor.u32 s14, v5;
	s13 =	sadd.s32 $0x200, s13;
	v12 =	vld [tilespmem:s0+$0xFFFFFFD0];
	[tilespmem:v23+s23+$0x0] =	vst.idx.msk $0xffff, v22  }
0x256: {  	v18 =	vld [tilespmem:s13+$0x80];
	v19 =	vor.u32 s15, v0  }
0x257: {  	s7 =	sadd.s32 $0x1, s12;
	v24 =	vld [tilespmem:s13+$0xFFFFFF00];
	v25 =	vor.u32 s12, v0  }
0x258: {  	v20 =	vld [tilespmem:s13+$0xFFFFFF80];
	s9 =	sadd.s32 $0x2, s12;
	v21 =	vor.u32 s7, v0  }
0x259: {  	v22 =	vld [tilespmem:s13+$0x0];
	v23 =	vor.u32 s9, v0  }
0x25a: {  	[tilespmem:v17+s23+$0x0] =	vst.idx.msk $0xffff, v16  }
0x25b: {  	[tilespmem:v19+s23+$0x0] =	vst.idx.msk $0xffff, v18  }
0x25c: {  	v52 =	vor.u32 s15, v1;
	[tilespmem:v25+s23+$0x0] =	vst.idx.msk $0xffff, v24;
	v51 =	vld [tilespmem:s13+$0x90]  }
0x25d: {  	v58 =	vor.u32 s12, v1;
	[tilespmem:v21+s23+$0x0] =	vst.idx.msk $0xffff, v20;
	v57 =	vld [tilespmem:s13+$0xFFFFFF10]  }
0x25e: {  	v54 =	vor.u32 s7, v1;
	[tilespmem:v23+s23+$0x0] =	vst.idx.msk $0xffff, v22;
	v53 =	vld [tilespmem:s13+$0xFFFFFF90]  }
0x25f: {  	v56 =	vor.u32 s9, v1;
	[tilespmem:v15+s23+$0x0] =	vst.idx.msk $0xffff, v9;
	v55 =	vld [tilespmem:s13+$0x10]  }
0x260: {  	[tilespmem:v10+s23+$0x0] =	vst.idx.msk $0xffff, v8  }
0x261: {  	[tilespmem:v52+s23+$0x0] =	vst.idx.msk $0xffff, v51  }
0x262: {  	v60 =	vor.u32 s15, v2;
	[tilespmem:v58+s23+$0x0] =	vst.idx.msk $0xffff, v57;
	v59 =	vld [tilespmem:s13+$0xA0]  }
0x263: {  	v22 =	vor.u32 s12, v2;
	[tilespmem:v54+s23+$0x0] =	vst.idx.msk $0xffff, v53;
	v8 =	vld [tilespmem:s13+$0xFFFFFF20]  }
0x264: {  	v62 =	vor.u32 s7, v2;
	[tilespmem:v56+s23+$0x0] =	vst.idx.msk $0xffff, v55;
	v61 =	vld [tilespmem:s13+$0xFFFFFFA0]  }
0x265: {  	[tilespmem:v14+s23+$0x0] =	vst.idx.msk $0xffff, v11;
	v21 =	vor.u32 s9, v2;
	v63 =	vld [tilespmem:s13+$0x20]  }
0x266: {  	v33 =	vor.u32 s2, v5;
	v32 =	vld [tilespmem:s0+$0xFFFFFF50];
	[tilespmem:v13+s23+$0x0] =	vst.idx.msk $0xffff, v12  }
0x267: {  	v26 =	vor.u32 s3, v5;
	v25 =	vld [tilespmem:s0+$0x50];
	[tilespmem:v60+s23+$0x0] =	vst.idx.msk $0xffff, v59  }
0x268: {  	v27 =	vor.u32 s15, v3;
	[tilespmem:v22+s23+$0x0] =	vst.idx.msk $0xffff, v8;
	v11 =	vld [tilespmem:s13+$0xB0]  }
0x269: {  	v30 =	vor.u32 s12, v3;
	[tilespmem:v62+s23+$0x0] =	vst.idx.msk $0xffff, v61;
	v10 =	vld [tilespmem:s13+$0xFFFFFF30]  }
0x26a: {  	v28 =	vor.u32 s7, v3;
	[tilespmem:v21+s23+$0x0] =	vst.idx.msk $0xffff, v63;
	v16 =	vld [tilespmem:s13+$0xFFFFFFB0]  }
0x26b: {  	v29 =	vor.u32 s9, v3;
	[tilespmem:v33+s23+$0x0] =	vst.idx.msk $0xffff, v32;
	v8 =	vld [tilespmem:s13+$0x30]  }
0x26c: {  	v39 =	vor.u32 s14, v6;
	v38 =	vld [tilespmem:s0+$0xFFFFFFE0];
	[tilespmem:v26+s23+$0x0] =	vst.idx.msk $0xffff, v25  }
0x26d: {  	v24 =	vor.u32 s8, v6;
	v23 =	vld [tilespmem:s0+$0xE0];
	[tilespmem:v27+s23+$0x0] =	vst.idx.msk $0xffff, v11  }
0x26e: {  	v34 =	vor.u32 s15, v4;
	[tilespmem:v30+s23+$0x0] =	vst.idx.msk $0xffff, v10;
	v11 =	vld [tilespmem:s13+$0xC0]  }
0x26f: {  	v37 =	vor.u32 s12, v4;
	[tilespmem:v28+s23+$0x0] =	vst.idx.msk $0xffff, v16;
	v10 =	vld [tilespmem:s13+$0xFFFFFF40]  }
0x270: {  	v35 =	vor.u32 s7, v4;
	[tilespmem:v29+s23+$0x0] =	vst.idx.msk $0xffff, v8;
	v16 =	vld [tilespmem:s13+$0xFFFFFFC0]  }
0x271: {  	v36 =	vor.u32 s9, v4;
	[tilespmem:v39+s23+$0x0] =	vst.idx.msk $0xffff, v38;
	v8 =	vld [tilespmem:s13+$0x40]  }
0x272: {  	v47 =	vor.u32 s2, v6;
	v46 =	vld [tilespmem:s0+$0xFFFFFF60];
	[tilespmem:v24+s23+$0x0] =	vst.idx.msk $0xffff, v23  }
0x273: {  	v41 =	vor.u32 s3, v6;
	v40 =	vld [tilespmem:s0+$0x60];
	[tilespmem:v34+s23+$0x0] =	vst.idx.msk $0xffff, v11  }
0x274: {  	v42 =	vor.u32 s15, v5;
	[tilespmem:v37+s23+$0x0] =	vst.idx.msk $0xffff, v10;
	v11 =	vld [tilespmem:s13+$0xD0]  }
0x275: {  	v45 =	vor.u32 s12, v5;
	[tilespmem:v35+s23+$0x0] =	vst.idx.msk $0xffff, v16;
	v10 =	vld [tilespmem:s13+$0xFFFFFF50]  }
0x276: {  	v43 =	vor.u32 s7, v5;
	[tilespmem:v36+s23+$0x0] =	vst.idx.msk $0xffff, v8;
	v16 =	vld [tilespmem:s13+$0xFFFFFFD0]  }
0x277: {  	v44 =	vor.u32 s9, v5;
	[tilespmem:v47+s23+$0x0] =	vst.idx.msk $0xffff, v46;
	v8 =	vld [tilespmem:s13+$0x50]  }
0x278: {  	v49 =	vor.u32 s14, v7;
	v48 =	vld [tilespmem:s0+$0xFFFFFFF0];
	[tilespmem:v41+s23+$0x0] =	vst.idx.msk $0xffff, v40  }
0x279: {  	v31 =	vor.u32 s8, v7;
	v13 =	vld [tilespmem:s0+$0xF0];
	[tilespmem:v42+s23+$0x0] =	vst.idx.msk $0xffff, v11  }
0x27a: {  	v50 =	vor.u32 s15, v6;
	[tilespmem:v45+s23+$0x0] =	vst.idx.msk $0xffff, v10;
	v11 =	vld [tilespmem:s13+$0xE0]  }
0x27b: {  	v55 =	vor.u32 s12, v6;
	[tilespmem:v43+s23+$0x0] =	vst.idx.msk $0xffff, v16;
	v54 =	vld [tilespmem:s13+$0xFFFFFF60]  }
0x27c: {  	v51 =	vor.u32 s7, v6;
	[tilespmem:v44+s23+$0x0] =	vst.idx.msk $0xffff, v8;
	v8 =	vld [tilespmem:s13+$0xFFFFFFE0]  }
0x27d: {  	v53 =	vor.u32 s9, v6;
	[tilespmem:v49+s23+$0x0] =	vst.idx.msk $0xffff, v48;
	v52 =	vld [tilespmem:s13+$0x60]  }
0x27e: {  	v57 =	vor.u32 s3, v7;
	[tilespmem:v31+s23+$0x0] =	vst.idx.msk $0xffff, v13;
	v56 =	vld [tilespmem:s0+$0x70]  }
0x27f: {  	v58 =	vld [tilespmem:s0+$0xFFFFFF70];
	v59 =	vor.u32 s2, v7;
	[tilespmem:v50+s23+$0x0] =	vst.idx.msk $0xffff, v11  }
0x280: {  	v60 =	vor.u32 s15, v7;
	[tilespmem:v55+s23+$0x0] =	vst.idx.msk $0xffff, v54;
	v11 =	vld [tilespmem:s13+$0xF0]  }
0x281: {  	v63 =	vor.u32 s12, v7;
	[tilespmem:v51+s23+$0x0] =	vst.idx.msk $0xffff, v8;
	v13 =	vld [tilespmem:s13+$0xFFFFFF70]  }
0x282: {  	v61 =	vor.u32 s7, v7;
	[tilespmem:v53+s23+$0x0] =	vst.idx.msk $0xffff, v52;
	v8 =	vld [tilespmem:s13+$0xFFFFFFF0]  }
0x283: {  	v62 =	vor.u32 s9, v7;
	[tilespmem:v57+s23+$0x0] =	vst.idx.msk $0xffff, v56;
	v10 =	vld [tilespmem:s13+$0x70]  }
0x284: {  	[tilespmem:v59+s23+$0x0] =	vst.idx.msk $0xffff, v58  }
0x285: {  	[tilespmem:v60+s23+$0x0] =	vst.idx.msk $0xffff, v11  }
.Ltmp7:
0x286: {  	[tilespmem:v63+s23+$0x0] =	vst.idx.msk $0xffff, v13;
	(pc) =	sbr.rel @p0 .LBB2_15-.Ltmp7, $4  }
0x287: {  	[tilespmem:v61+s23+$0x0] =	vst.idx.msk $0xffff, v8  }
0x288: {  	[tilespmem:v62+s23+$0x0] =	vst.idx.msk $0xffff, v10  }
0x289: {  	s31 =	rddreg [dreg:$0x8]  }
0x28a: {  	[hbm4b:s31+s4] =	stream.linear.scatter [tilespmem:s23], [sflag:$0x4], $0x2000, $0x38;
	[tilespmem:$0x9000] =	vst v63  }
0x28b: {  	_ =	swait.ge [sflag:s20], $0x2000  }
0x28c: {  	[sflag:s20] =	ssyncset.done $0x0  }
0x28d: {  	[sflag:s20] =	ssyncadd.s32 $0xFFFFE000  }
0x28e: {  	_ =	swait.ge [sflag:s24], $0x2000  }
0x28f: {  	[sflag:s24] =	ssyncset.done $0x0  }
0x290: {  	s12 =	simm.s32 $0x100;
	s9 =	simm.s32 $0x3;
	[sflag:s24] =	ssyncadd.s32 $0xFFFFE000  }
0x291: {  	s15 =	simm.s32 $0x2;
	v9 =	vor.u32 s9, v0;
	v8 =	vld [tilespmem:s12+$0x80]  }
0x292: {  	s7 =	simm.s32 $0x1;
	v13 =	vor.u32 s15, v0;
	v12 =	vld [tilespmem:s12+$0x0]  }
0x293: {  	v11 =	vor.u32 s7, v0;
	v10 =	vld [tilespmem:s12+$0xFFFFFF80];
	_ =	sdelay $0x1  }
0x294: {  	s13 =	simm.s32 $0x0  }
0x295: {  	v15 =	vor.u32 s13, v0;
	v14 =	vld [tilespmem:s12+$0xFFFFFF00];
	[tilespmem:v9+s21+$0x0] =	vst.idx.msk $0xffff, v8  }
0x296: {  	v9 =	vor.u32 s9, v1;
	[tilespmem:v13+s21+$0x0] =	vst.idx.msk $0xffff, v12;
	v8 =	vld [tilespmem:s12+$0x90]  }
0x297: {  	[tilespmem:v11+s21+$0x0] =	vst.idx.msk $0xffff, v10;
	v13 =	vor.u32 s15, v1;
	v12 =	vld [tilespmem:s12+$0x10]  }
0x298: {  	v11 =	vor.u32 s7, v1;
	v10 =	vld [tilespmem:s12+$0xFFFFFF90];
	_ =	sdelay $0x1  }
0x299: {  	[tilespmem:v15+s21+$0x0] =	vst.idx.msk $0xffff, v14  }
0x29a: {  	v15 =	vor.u32 s13, v1;
	v14 =	vld [tilespmem:s12+$0xFFFFFF10];
	[tilespmem:v9+s21+$0x0] =	vst.idx.msk $0xffff, v8  }
0x29b: {  	v9 =	vor.u32 s9, v2;
	[tilespmem:v13+s21+$0x0] =	vst.idx.msk $0xffff, v12;
	v8 =	vld [tilespmem:s12+$0xA0]  }
0x29c: {  	[tilespmem:v11+s21+$0x0] =	vst.idx.msk $0xffff, v10;
	v13 =	vor.u32 s15, v2;
	v12 =	vld [tilespmem:s12+$0x20]  }
0x29d: {  	v11 =	vor.u32 s7, v2;
	v10 =	vld [tilespmem:s12+$0xFFFFFFA0];
	_ =	sdelay $0x1  }
0x29e: {  	[tilespmem:v15+s21+$0x0] =	vst.idx.msk $0xffff, v14  }
0x29f: {  	v15 =	vor.u32 s13, v2;
	v14 =	vld [tilespmem:s12+$0xFFFFFF20];
	[tilespmem:v9+s21+$0x0] =	vst.idx.msk $0xffff, v8  }
0x2a0: {  	v9 =	vor.u32 s9, v3;
	[tilespmem:v13+s21+$0x0] =	vst.idx.msk $0xffff, v12;
	v8 =	vld [tilespmem:s12+$0xB0]  }
0x2a1: {  	[tilespmem:v11+s21+$0x0] =	vst.idx.msk $0xffff, v10;
	v13 =	vor.u32 s15, v3;
	v12 =	vld [tilespmem:s12+$0x30]  }
0x2a2: {  	v11 =	vor.u32 s7, v3;
	v10 =	vld [tilespmem:s12+$0xFFFFFFB0];
	_ =	sdelay $0x1  }
0x2a3: {  	[tilespmem:v15+s21+$0x0] =	vst.idx.msk $0xffff, v14  }
0x2a4: {  	v15 =	vor.u32 s13, v3;
	v14 =	vld [tilespmem:s12+$0xFFFFFF30];
	[tilespmem:v9+s21+$0x0] =	vst.idx.msk $0xffff, v8  }
0x2a5: {  	v9 =	vor.u32 s9, v4;
	[tilespmem:v13+s21+$0x0] =	vst.idx.msk $0xffff, v12;
	v8 =	vld [tilespmem:s12+$0xC0]  }
0x2a6: {  	[tilespmem:v11+s21+$0x0] =	vst.idx.msk $0xffff, v10;
	v13 =	vor.u32 s15, v4;
	v12 =	vld [tilespmem:s12+$0x40]  }
0x2a7: {  	v11 =	vor.u32 s7, v4;
	v10 =	vld [tilespmem:s12+$0xFFFFFFC0]  }
0x2a8: {  	s8 =	simm.s32 $0x7;
	s0 =	simm.s32 $0x300  }
0x2a9: {  	v17 =	vor.u32 s8, v0;
	v16 =	vld [tilespmem:s0+$0x80];
	[tilespmem:v15+s21+$0x0] =	vst.idx.msk $0xffff, v14  }
0x2aa: {  	s14 =	simm.s32 $0x5;
	v15 =	vor.u32 s13, v4;
	v14 =	vld [tilespmem:s12+$0xFFFFFF40];
	[tilespmem:v9+s21+$0x0] =	vst.idx.msk $0xffff, v8  }
0x2ab: {  	[tilespmem:v13+s21+$0x0] =	vst.idx.msk $0xffff, v12;
	v12 =	vld [tilespmem:s0+$0xFFFFFF80];
	v13 =	vor.u32 s14, v0  }
0x2ac: {  	[tilespmem:v11+s21+$0x0] =	vst.idx.msk $0xffff, v10;
	v9 =	vor.u32 s9, v5;
	v8 =	vld [tilespmem:s12+$0xD0]  }
0x2ad: {  	v11 =	vor.u32 s7, v5;
	v10 =	vld [tilespmem:s12+$0xFFFFFFD0]  }
0x2ae: {  	s3 =	simm.s32 $0x6;
	[tilespmem:v17+s21+$0x0] =	vst.idx.msk $0xffff, v16  }
0x2af: {  	s2 =	simm.s32 $0x4;
	[tilespmem:v15+s21+$0x0] =	vst.idx.msk $0xffff, v14;
	v14 =	vld [tilespmem:s0+$0x0];
	v15 =	vor.u32 s3, v0  }
0x2b0: {  	v19 =	vor.u32 s2, v0;
	v18 =	vld [tilespmem:s0+$0xFFFFFF00];
	[tilespmem:v13+s21+$0x0] =	vst.idx.msk $0xffff, v12  }
0x2b1: {  	v12 =	vld [tilespmem:s0+$0x90];
	v13 =	vor.u32 s8, v1;
	[tilespmem:v9+s21+$0x0] =	vst.idx.msk $0xffff, v8  }
0x2b2: {  	[tilespmem:v11+s21+$0x0] =	vst.idx.msk $0xffff, v10;
	v10 =	vld [tilespmem:s12+$0x50];
	v11 =	vor.u32 s15, v5  }
0x2b3: {  	v9 =	vor.u32 s9, v6;
	v8 =	vld [tilespmem:s12+$0xE0]  }
0x2b4: {  	v17 =	vor.u32 s14, v1;
	[tilespmem:v15+s21+$0x0] =	vst.idx.msk $0xffff, v14;
	v16 =	vld [tilespmem:s0+$0xFFFFFF90]  }
0x2b5: {  	[tilespmem:v19+s21+$0x0] =	vst.idx.msk $0xffff, v18;
	v15 =	vor.u32 s3, v1;
	v14 =	vld [tilespmem:s0+$0x10]  }
0x2b6: {  	v19 =	vor.u32 s2, v1;
	v18 =	vld [tilespmem:s0+$0xFFFFFF10];
	[tilespmem:v13+s21+$0x0] =	vst.idx.msk $0xffff, v12  }
0x2b7: {  	v13 =	vor.u32 s8, v2;
	[tilespmem:v11+s21+$0x0] =	vst.idx.msk $0xffff, v10;
	v12 =	vld [tilespmem:s0+$0xA0]  }
0x2b8: {  	v10 =	vld [tilespmem:s12+$0xFFFFFF50];
	v11 =	vor.u32 s13, v5;
	[tilespmem:v9+s21+$0x0] =	vst.idx.msk $0xffff, v8  }
0x2b9: {  	[tilespmem:v17+s21+$0x0] =	vst.idx.msk $0xffff, v16;
	v9 =	vor.u32 s9, v7;
	v8 =	vld [tilespmem:s12+$0xF0]  }
0x2ba: {  	v17 =	vor.u32 s14, v2;
	[tilespmem:v15+s21+$0x0] =	vst.idx.msk $0xffff, v14;
	v16 =	vld [tilespmem:s0+$0xFFFFFFA0]  }
0x2bb: {  	[tilespmem:v19+s21+$0x0] =	vst.idx.msk $0xffff, v18;
	v15 =	vor.u32 s3, v2;
	v14 =	vld [tilespmem:s0+$0x20]  }
0x2bc: {  	v19 =	vor.u32 s2, v2;
	v18 =	vld [tilespmem:s0+$0xFFFFFF20];
	[tilespmem:v13+s21+$0x0] =	vst.idx.msk $0xffff, v12  }
0x2bd: {  	[tilespmem:v11+s21+$0x0] =	vst.idx.msk $0xffff, v10;
	v13 =	vor.u32 s8, v3;
	v12 =	vld [tilespmem:s0+$0xB0]  }
0x2be: {  	[tilespmem:v9+s21+$0x0] =	vst.idx.msk $0xffff, v8;
	v8 =	vld [tilespmem:s12+$0xFFFFFFE0];
	v9 =	vor.u32 s7, v6  }
0x2bf: {  	v10 =	vld [tilespmem:s12+$0x60];
	v11 =	vor.u32 s15, v6;
	[tilespmem:v17+s21+$0x0] =	vst.idx.msk $0xffff, v16  }
0x2c0: {  	v17 =	vor.u32 s14, v3;
	[tilespmem:v15+s21+$0x0] =	vst.idx.msk $0xffff, v14;
	v16 =	vld [tilespmem:s0+$0xFFFFFFB0]  }
0x2c1: {  	[tilespmem:v19+s21+$0x0] =	vst.idx.msk $0xffff, v18;
	v15 =	vor.u32 s3, v3;
	v14 =	vld [tilespmem:s0+$0x30]  }
0x2c2: {  	v19 =	vor.u32 s2, v3;
	v18 =	vld [tilespmem:s0+$0xFFFFFF30];
	[tilespmem:v13+s21+$0x0] =	vst.idx.msk $0xffff, v12  }
0x2c3: {  	[tilespmem:v9+s21+$0x0] =	vst.idx.msk $0xffff, v8;
	v8 =	vld [tilespmem:s12+$0xFFFFFF60];
	v9 =	vor.u32 s13, v6  }
0x2c4: {  	[tilespmem:v11+s21+$0x0] =	vst.idx.msk $0xffff, v10;
	v13 =	vor.u32 s8, v4;
	v12 =	vld [tilespmem:s0+$0xC0]  }
0x2c5: {  	v11 =	vor.u32 s7, v7;
	[tilespmem:v17+s21+$0x0] =	vst.idx.msk $0xffff, v16;
	v10 =	vld [tilespmem:s12+$0xFFFFFFF0]  }
0x2c6: {  	v21 =	vor.u32 s14, v4;
	[tilespmem:v15+s21+$0x0] =	vst.idx.msk $0xffff, v14;
	v20 =	vld [tilespmem:s0+$0xFFFFFFC0]  }
0x2c7: {  	[tilespmem:v19+s21+$0x0] =	vst.idx.msk $0xffff, v18;
	v19 =	vor.u32 s3, v4;
	v18 =	vld [tilespmem:s0+$0x40]  }
0x2c8: {  	v16 =	vld [tilespmem:s0+$0xFFFFFF40];
	v17 =	vor.u32 s2, v4;
	[tilespmem:v9+s21+$0x0] =	vst.idx.msk $0xffff, v8  }
0x2c9: {  	v15 =	vor.u32 s15, v7;
	v9 =	vld [tilespmem:s12+$0x70];
	[tilespmem:v13+s21+$0x0] =	vst.idx.msk $0xffff, v12  }
0x2ca: {  	v14 =	vor.u32 s13, v7;
	[tilespmem:v11+s21+$0x0] =	vst.idx.msk $0xffff, v10;
	v11 =	vld [tilespmem:s12+$0xFFFFFF70]  }
0x2cb: {  	s7 =	simm.s32 $0xC;
	[tilespmem:v21+s21+$0x0] =	vst.idx.msk $0xffff, v20;
	v8 =	vld [tilespmem:s0+$0xD0];
	v10 =	vor.u32 s8, v5  }
0x2cc: {  	s15 =	simm.s32 $0xB;
	s13 =	simm.s32 $0x500;
	v13 =	vor.u32 s14, v5;
	s12 =	simm.s32 $0x8;
	[tilespmem:v19+s21+$0x0] =	vst.idx.msk $0xffff, v18;
	v12 =	vld [tilespmem:s0+$0xFFFFFFD0]  }
.LBB2_13:
0x2cd: {  	p2 =	slt.u32 s7, $0x3C;
	s16 =	sadd.s32 $0x1, s12;
	v18 =	vld [tilespmem:s13+$0x80];
	v19 =	vor.u32 s15, v0;
	[tilespmem:v17+s21+$0x0] =	vst.idx.msk $0xffff, v16  }
0x2ce: {  	s9 =	sadd.s32 $0x2, s12;
	v16 =	vld [tilespmem:s13+$0xFFFFFF80];
	v17 =	vor.u32 s16, v0;
	[tilespmem:v15+s21+$0x0] =	vst.idx.msk $0xffff, v9  }
0x2cf: {  	v15 =	vor.u32 s9, v0;
	v9 =	vld [tilespmem:s13+$0x0];
	[tilespmem:v14+s21+$0x0] =	vst.idx.msk $0xffff, v11  }
0x2d0: {  	v14 =	vor.u32 s12, v0;
	v11 =	vld [tilespmem:s13+$0xFFFFFF00];
	[tilespmem:v10+s21+$0x0] =	vst.idx.msk $0xffff, v8  }
0x2d1: {  	v10 =	vor.u32 s8, v6;
	[tilespmem:v13+s21+$0x0] =	vst.idx.msk $0xffff, v12;
	v8 =	vld [tilespmem:s0+$0xE0]  }
0x2d2: {  	v13 =	vor.u32 s3, v5;
	[tilespmem:v19+s21+$0x0] =	vst.idx.msk $0xffff, v18;
	v12 =	vld [tilespmem:s0+$0x50]  }
0x2d3: {  	[tilespmem:v17+s21+$0x0] =	vst.idx.msk $0xffff, v16;
	v16 =	vld [tilespmem:s13+$0x90];
	v17 =	vor.u32 s15, v1  }
0x2d4: {  	v19 =	vor.u32 s16, v1;
	v18 =	vld [tilespmem:s13+$0xFFFFFF90];
	[tilespmem:v15+s21+$0x0] =	vst.idx.msk $0xffff, v9  }
0x2d5: {  	[tilespmem:v14+s21+$0x0] =	vst.idx.msk $0xffff, v11;
	v9 =	vld [tilespmem:s13+$0x10];
	v11 =	vor.u32 s9, v1  }
0x2d6: {  	v15 =	vor.u32 s12, v1;
	v14 =	vld [tilespmem:s13+$0xFFFFFF10];
	[tilespmem:v10+s21+$0x0] =	vst.idx.msk $0xffff, v8  }
0x2d7: {  	v10 =	vor.u32 s8, v7;
	s8 =	smov.u32 s15;
	[tilespmem:v13+s21+$0x0] =	vst.idx.msk $0xffff, v12;
	v8 =	vld [tilespmem:s0+$0xF0]  }
0x2d8: {  	v13 =	vor.u32 s2, v5;
	[tilespmem:v17+s21+$0x0] =	vst.idx.msk $0xffff, v16;
	v12 =	vld [tilespmem:s0+$0xFFFFFF50]  }
0x2d9: {  	v17 =	vor.u32 s8, v2;
	[tilespmem:v19+s21+$0x0] =	vst.idx.msk $0xffff, v18;
	v16 =	vld [tilespmem:s13+$0xA0]  }
0x2da: {  	v19 =	vor.u32 s16, v2;
	v18 =	vld [tilespmem:s13+$0xFFFFFFA0];
	[tilespmem:v11+s21+$0x0] =	vst.idx.msk $0xffff, v9  }
0x2db: {  	v11 =	vor.u32 s9, v2;
	[tilespmem:v15+s21+$0x0] =	vst.idx.msk $0xffff, v14;
	v9 =	vld [tilespmem:s13+$0x20]  }
0x2dc: {  	v15 =	vor.u32 s12, v2;
	v14 =	vld [tilespmem:s13+$0xFFFFFF20];
	[tilespmem:v10+s21+$0x0] =	vst.idx.msk $0xffff, v8  }
0x2dd: {  	v10 =	vor.u32 s14, v6;
	[tilespmem:v13+s21+$0x0] =	vst.idx.msk $0xffff, v12;
	v8 =	vld [tilespmem:s0+$0xFFFFFFE0]  }
0x2de: {  	v13 =	vor.u32 s3, v6;
	[tilespmem:v17+s21+$0x0] =	vst.idx.msk $0xffff, v16;
	v12 =	vld [tilespmem:s0+$0x60]  }
0x2df: {  	v17 =	vor.u32 s8, v3;
	[tilespmem:v19+s21+$0x0] =	vst.idx.msk $0xffff, v18;
	v16 =	vld [tilespmem:s13+$0xB0]  }
0x2e0: {  	v19 =	vor.u32 s16, v3;
	v18 =	vld [tilespmem:s13+$0xFFFFFFB0];
	[tilespmem:v11+s21+$0x0] =	vst.idx.msk $0xffff, v9  }
0x2e1: {  	v11 =	vor.u32 s9, v3;
	[tilespmem:v15+s21+$0x0] =	vst.idx.msk $0xffff, v14;
	v9 =	vld [tilespmem:s13+$0x30]  }
0x2e2: {  	v15 =	vor.u32 s12, v3;
	v14 =	vld [tilespmem:s13+$0xFFFFFF30];
	[tilespmem:v10+s21+$0x0] =	vst.idx.msk $0xffff, v8  }
0x2e3: {  	v10 =	vor.u32 s2, v6;
	v8 =	vld [tilespmem:s0+$0xFFFFFF60];
	[tilespmem:v13+s21+$0x0] =	vst.idx.msk $0xffff, v12  }
0x2e4: {  	v13 =	vor.u32 s14, v7;
	s14 =	smov.u32 s16;
	[tilespmem:v17+s21+$0x0] =	vst.idx.msk $0xffff, v16;
	v12 =	vld [tilespmem:s0+$0xFFFFFFF0]  }
0x2e5: {  	[tilespmem:v19+s21+$0x0] =	vst.idx.msk $0xffff, v18;
	v18 =	vld [tilespmem:s13+$0xC0];
	v19 =	vor.u32 s8, v4  }
0x2e6: {  	v21 =	vor.u32 s14, v4;
	v20 =	vld [tilespmem:s13+$0xFFFFFFC0];
	[tilespmem:v11+s21+$0x0] =	vst.idx.msk $0xffff, v9  }
0x2e7: {  	v23 =	vor.u32 s9, v4;
	[tilespmem:v15+s21+$0x0] =	vst.idx.msk $0xffff, v14;
	v22 =	vld [tilespmem:s13+$0x40]  }
.Ltmp8:
0x2e8: {  	v17 =	vor.u32 s12, v4;
	v16 =	vld [tilespmem:s13+$0xFFFFFF40];
	[tilespmem:v10+s21+$0x0] =	vst.idx.msk $0xffff, v8;
	(pc) =	sbr.rel @p2 .LBB2_13-.Ltmp8, $4  }
0x2e9: {  	v15 =	vor.u32 s3, v7;
	s3 =	smov.u32 s9;
	[tilespmem:v13+s21+$0x0] =	vst.idx.msk $0xffff, v12;
	v9 =	vld [tilespmem:s0+$0x70]  }
0x2ea: {  	v14 =	vor.u32 s2, v7;
	s2 =	smov.u32 s12;
	s12 =	smov.u32 s7;
	[tilespmem:v19+s21+$0x0] =	vst.idx.msk $0xffff, v18;
	v11 =	vld [tilespmem:s0+$0xFFFFFF70];
	s0 =	smov.u32 s13  }
0x2eb: {  	v10 =	vor.u32 s8, v5;
	[tilespmem:v21+s21+$0x0] =	vst.idx.msk $0xffff, v20;
	v8 =	vld [tilespmem:s13+$0xD0]  }
0x2ec: {  	s7 =	sadd.s32 $0x4, s7;
	s15 =	sadd.s32 $0x3, s12;
	v13 =	vor.u32 s14, v5;
	s13 =	sadd.s32 $0x200, s13;
	v12 =	vld [tilespmem:s0+$0xFFFFFFD0];
	[tilespmem:v23+s21+$0x0] =	vst.idx.msk $0xffff, v22  }
0x2ed: {  	v18 =	vld [tilespmem:s13+$0x80];
	v19 =	vor.u32 s15, v0  }
0x2ee: {  	s7 =	sadd.s32 $0x1, s12;
	v24 =	vld [tilespmem:s13+$0xFFFFFF00];
	v25 =	vor.u32 s12, v0  }
0x2ef: {  	v20 =	vld [tilespmem:s13+$0xFFFFFF80];
	s9 =	sadd.s32 $0x2, s12;
	v21 =	vor.u32 s7, v0  }
0x2f0: {  	v22 =	vld [tilespmem:s13+$0x0];
	v23 =	vor.u32 s9, v0  }
0x2f1: {  	[tilespmem:v17+s21+$0x0] =	vst.idx.msk $0xffff, v16  }
0x2f2: {  	[tilespmem:v19+s21+$0x0] =	vst.idx.msk $0xffff, v18  }
0x2f3: {  	v52 =	vor.u32 s15, v1;
	[tilespmem:v25+s21+$0x0] =	vst.idx.msk $0xffff, v24;
	v51 =	vld [tilespmem:s13+$0x90]  }
0x2f4: {  	v58 =	vor.u32 s12, v1;
	[tilespmem:v21+s21+$0x0] =	vst.idx.msk $0xffff, v20;
	v57 =	vld [tilespmem:s13+$0xFFFFFF10]  }
0x2f5: {  	v54 =	vor.u32 s7, v1;
	[tilespmem:v23+s21+$0x0] =	vst.idx.msk $0xffff, v22;
	v53 =	vld [tilespmem:s13+$0xFFFFFF90]  }
0x2f6: {  	v56 =	vor.u32 s9, v1;
	[tilespmem:v15+s21+$0x0] =	vst.idx.msk $0xffff, v9;
	v55 =	vld [tilespmem:s13+$0x10]  }
0x2f7: {  	[tilespmem:v10+s21+$0x0] =	vst.idx.msk $0xffff, v8  }
0x2f8: {  	[tilespmem:v52+s21+$0x0] =	vst.idx.msk $0xffff, v51  }
0x2f9: {  	v60 =	vor.u32 s15, v2;
	[tilespmem:v58+s21+$0x0] =	vst.idx.msk $0xffff, v57;
	v59 =	vld [tilespmem:s13+$0xA0]  }
0x2fa: {  	v22 =	vor.u32 s12, v2;
	[tilespmem:v54+s21+$0x0] =	vst.idx.msk $0xffff, v53;
	v8 =	vld [tilespmem:s13+$0xFFFFFF20]  }
0x2fb: {  	v62 =	vor.u32 s7, v2;
	[tilespmem:v56+s21+$0x0] =	vst.idx.msk $0xffff, v55;
	v61 =	vld [tilespmem:s13+$0xFFFFFFA0]  }
0x2fc: {  	[tilespmem:v14+s21+$0x0] =	vst.idx.msk $0xffff, v11;
	v21 =	vor.u32 s9, v2;
	v63 =	vld [tilespmem:s13+$0x20]  }
0x2fd: {  	v33 =	vor.u32 s2, v5;
	v32 =	vld [tilespmem:s0+$0xFFFFFF50];
	[tilespmem:v13+s21+$0x0] =	vst.idx.msk $0xffff, v12  }
0x2fe: {  	v26 =	vor.u32 s3, v5;
	v25 =	vld [tilespmem:s0+$0x50];
	[tilespmem:v60+s21+$0x0] =	vst.idx.msk $0xffff, v59  }
0x2ff: {  	v27 =	vor.u32 s15, v3;
	[tilespmem:v22+s21+$0x0] =	vst.idx.msk $0xffff, v8;
	v11 =	vld [tilespmem:s13+$0xB0]  }
0x300: {  	v30 =	vor.u32 s12, v3;
	[tilespmem:v62+s21+$0x0] =	vst.idx.msk $0xffff, v61;
	v10 =	vld [tilespmem:s13+$0xFFFFFF30]  }
0x301: {  	v28 =	vor.u32 s7, v3;
	[tilespmem:v21+s21+$0x0] =	vst.idx.msk $0xffff, v63;
	v16 =	vld [tilespmem:s13+$0xFFFFFFB0]  }
0x302: {  	v29 =	vor.u32 s9, v3;
	[tilespmem:v33+s21+$0x0] =	vst.idx.msk $0xffff, v32;
	v8 =	vld [tilespmem:s13+$0x30]  }
0x303: {  	v39 =	vor.u32 s14, v6;
	v38 =	vld [tilespmem:s0+$0xFFFFFFE0];
	[tilespmem:v26+s21+$0x0] =	vst.idx.msk $0xffff, v25  }
0x304: {  	v24 =	vor.u32 s8, v6;
	v23 =	vld [tilespmem:s0+$0xE0];
	[tilespmem:v27+s21+$0x0] =	vst.idx.msk $0xffff, v11  }
0x305: {  	v34 =	vor.u32 s15, v4;
	[tilespmem:v30+s21+$0x0] =	vst.idx.msk $0xffff, v10;
	v11 =	vld [tilespmem:s13+$0xC0]  }
0x306: {  	v37 =	vor.u32 s12, v4;
	[tilespmem:v28+s21+$0x0] =	vst.idx.msk $0xffff, v16;
	v10 =	vld [tilespmem:s13+$0xFFFFFF40]  }
0x307: {  	v35 =	vor.u32 s7, v4;
	[tilespmem:v29+s21+$0x0] =	vst.idx.msk $0xffff, v8;
	v16 =	vld [tilespmem:s13+$0xFFFFFFC0]  }
0x308: {  	v36 =	vor.u32 s9, v4;
	[tilespmem:v39+s21+$0x0] =	vst.idx.msk $0xffff, v38;
	v8 =	vld [tilespmem:s13+$0x40]  }
0x309: {  	v47 =	vor.u32 s2, v6;
	v46 =	vld [tilespmem:s0+$0xFFFFFF60];
	[tilespmem:v24+s21+$0x0] =	vst.idx.msk $0xffff, v23  }
0x30a: {  	v41 =	vor.u32 s3, v6;
	v40 =	vld [tilespmem:s0+$0x60];
	[tilespmem:v34+s21+$0x0] =	vst.idx.msk $0xffff, v11  }
0x30b: {  	v42 =	vor.u32 s15, v5;
	[tilespmem:v37+s21+$0x0] =	vst.idx.msk $0xffff, v10;
	v11 =	vld [tilespmem:s13+$0xD0]  }
0x30c: {  	v45 =	vor.u32 s12, v5;
	[tilespmem:v35+s21+$0x0] =	vst.idx.msk $0xffff, v16;
	v10 =	vld [tilespmem:s13+$0xFFFFFF50]  }
0x30d: {  	v43 =	vor.u32 s7, v5;
	[tilespmem:v36+s21+$0x0] =	vst.idx.msk $0xffff, v8;
	v16 =	vld [tilespmem:s13+$0xFFFFFFD0]  }
0x30e: {  	v44 =	vor.u32 s9, v5;
	[tilespmem:v47+s21+$0x0] =	vst.idx.msk $0xffff, v46;
	v8 =	vld [tilespmem:s13+$0x50]  }
0x30f: {  	v49 =	vor.u32 s14, v7;
	v48 =	vld [tilespmem:s0+$0xFFFFFFF0];
	[tilespmem:v41+s21+$0x0] =	vst.idx.msk $0xffff, v40  }
0x310: {  	v31 =	vor.u32 s8, v7;
	v13 =	vld [tilespmem:s0+$0xF0];
	[tilespmem:v42+s21+$0x0] =	vst.idx.msk $0xffff, v11  }
0x311: {  	v50 =	vor.u32 s15, v6;
	[tilespmem:v45+s21+$0x0] =	vst.idx.msk $0xffff, v10;
	v11 =	vld [tilespmem:s13+$0xE0]  }
0x312: {  	v55 =	vor.u32 s12, v6;
	[tilespmem:v43+s21+$0x0] =	vst.idx.msk $0xffff, v16;
	v54 =	vld [tilespmem:s13+$0xFFFFFF60]  }
0x313: {  	v51 =	vor.u32 s7, v6;
	[tilespmem:v44+s21+$0x0] =	vst.idx.msk $0xffff, v8;
	v8 =	vld [tilespmem:s13+$0xFFFFFFE0]  }
0x314: {  	v53 =	vor.u32 s9, v6;
	[tilespmem:v49+s21+$0x0] =	vst.idx.msk $0xffff, v48;
	v52 =	vld [tilespmem:s13+$0x60]  }
0x315: {  	v57 =	vor.u32 s3, v7;
	[tilespmem:v31+s21+$0x0] =	vst.idx.msk $0xffff, v13;
	v56 =	vld [tilespmem:s0+$0x70]  }
0x316: {  	v58 =	vld [tilespmem:s0+$0xFFFFFF70];
	v59 =	vor.u32 s2, v7;
	[tilespmem:v50+s21+$0x0] =	vst.idx.msk $0xffff, v11  }
0x317: {  	v60 =	vor.u32 s15, v7;
	[tilespmem:v55+s21+$0x0] =	vst.idx.msk $0xffff, v54;
	v11 =	vld [tilespmem:s13+$0xF0]  }
0x318: {  	v63 =	vor.u32 s12, v7;
	[tilespmem:v51+s21+$0x0] =	vst.idx.msk $0xffff, v8;
	v13 =	vld [tilespmem:s13+$0xFFFFFF70]  }
0x319: {  	v61 =	vor.u32 s7, v7;
	[tilespmem:v53+s21+$0x0] =	vst.idx.msk $0xffff, v52;
	v8 =	vld [tilespmem:s13+$0xFFFFFFF0]  }
0x31a: {  	v62 =	vor.u32 s9, v7;
	[tilespmem:v57+s21+$0x0] =	vst.idx.msk $0xffff, v56;
	v10 =	vld [tilespmem:s13+$0x70]  }
0x31b: {  	[tilespmem:v59+s21+$0x0] =	vst.idx.msk $0xffff, v58  }
0x31c: {  	[tilespmem:v60+s21+$0x0] =	vst.idx.msk $0xffff, v11  }
.Ltmp9:
0x31d: {  	[tilespmem:v63+s21+$0x0] =	vst.idx.msk $0xffff, v13;
	(pc) =	sbr.rel .LBB2_15-.Ltmp9, $4  }
0x31e: {  	[tilespmem:v61+s21+$0x0] =	vst.idx.msk $0xffff, v8  }
0x31f: {  	[tilespmem:v62+s21+$0x0] =	vst.idx.msk $0xffff, v10  }
0x320: {  	s31 =	rddreg [dreg:$0x9]  }
0x321: {  	[hbm4b:s31+s4] =	stream.linear.scatter [tilespmem:s21], [sflag:$0x3], $0x2000, $0x38;
	[tilespmem:$0x9000] =	vst v63  }
.LBB2_16:
0x322: {  	_ =	sfence.sel $0x180000  }
0x323: {  	[bflag:$0x0] =	sbarrier.arrive $0xFFFF  }
0x324: {  	_ =	strace $0x90000047  }
0x325: {  	s0 =	stileid.u32;
	[bflag:$0x2] =	sbarrier.arrive $0xFFFF  }
0x326: {  	p0 =	sne.s32 s0, $0x0;
	s0 =	rddreg [dreg:$0x3]  }
0x327: {  	s0 =	sadd.s32 @!p0 $0x100000, s0  }
0x328: {  	[sflag:s0] =	ssyncadd.tile.s32 @!p0 $0x1;
	_ =	shalt  }
.Lfunc_end2:
_tile_overlayer_lowered:
.L_overlay_start_2:
0x329: {  	(tag) =	ssettag $0x2  }
0x32a: {  	s0 =	rddreg [dreg:$0x0];
	s2 =	stileid.u32  }
0x32b: {  	s1 =	rddreg [dreg:$0x1];
	p0 =	sne.s32 s2, $0x0  }
0x32c: {  	s3 =	rddreg [dreg:$0x2];
	[bflag:$0x3] =	sbarrier.arrive $0xFFFF;
	s2 =	simm.s32 @!p0 $0x1C05  }
0x32d: {  	[timem:s3], [sflag:s2] =	dma.local @!p0 [hbm:s0], s1  }
0x32e: {  	s0 =	simm.s32 @!p0 $0x5  }
0x32f: {  	_ =	swait.ge @!p0 [sflag:s0], s1  }
0x330: {  	s1 =	ssub.s32 @!p0 $0x0, s1;
	[sflag:s0] =	ssyncset.done @!p0 $0x0  }
0x331: {  	[sflag:s0] =	ssyncadd.s32 @!p0 s1  }
0x332: {  	[bflag:$0x3] =	sbarrier.arrive $0xFFFF  }
0x333: {  	_ =	shalt  }

// kernel: sparse-core-data-format-call.cloned.1.call-start
scs
called_computation_lowered:
.L_overlay_start_0:
0x0: {  	s2 =	sld [smem:$0x3FD9]  }
0x1: {  	s3 =	sld [smem:$0x3FFE];
	_ =	sdelay $0x1  }
0x2: {  	s1 =	srdreg.scid  }
0x3: {  	s0 =	sand.u32 $0x1, s1  }
0x4: {  	s18 =	sshll.u32 s0, $0xA;
	s2 =	sadd.s32 s3, s2  }
0x5: {  	s2 =	sadd.s32 s2, s18  }
0x6: {  	[smem:$0x3FC7] =	sst s2  }
0x7: {  	_ = 	snop  }
0x8: {  	s2 =	sld [smem:$0x3FD0];
	(tm) =	ssettm $0x1  }
0x9: {  	s19 =	sld [smem:$0x3FFB];
	_ =	sdelay $0x3  }
0xa: {  	_ =	strace s19  }
0xb: {  	s3 =	sld [smem:$0x3FFC];
	_ =	sdelay $0x3  }
0xc: {  	_ =	strace s3  }
0xd: {  	s3 =	sld [smem:$0x3FFD];
	_ =	sdelay $0x3  }
0xe: {  	_ =	strace s3  }
0xf: {  	_ =	strace $0x8FFFFFFF  }
0x10: {  	s20 =	sld [smem:$0x3FDB];
	_ =	sdelay $0x1  }
0x11: {  	s4 =	simm.s32 $_scs_section_size  }
0x12: {  	s5 =	simm.s32 $_size__tile_overlayer_lowered;
	s6 =	simm.s32 $_tile_overlayer_lowered  }
0x13: {  	s23 =	simm.s32 $0x1BFF;
	s22 =	sshll.u32 s6, $0x1;
	s3 =	sadd.s32 s4, s20  }
0x14: {  	s7 =	simm.s32 $0x0;
	s21 =	sshll.u32 s5, $0x1;
	s5 =	sadd.s32 s22, s3  }
0x15: {  	[timem:s7], [sflag:s23] =	dma.local [hbm:s5], s21  }
0x16: {  	_ =	swait.ge [sflag:s23], s21  }
0x17: {  	s4 =	ssub.s32 $0x0, s21;
	[sflag:s23] =	ssyncset.done $0x0  }
0x18: {  	[sflag:s23] =	ssyncadd.s32 s4;
	_ =	sdelay $0x1  }
0x19: {  	s24 =	simm.s32 $0x1B8B  }
0x1a: {  	_ =	swait.ge [sflag:s24], $0x1  }
0x1b: {  	[sflag:s24] =	ssyncset.done $0x0  }
0x1c: {  	s26 =	simm.s32 $0x1B8E;
	s25 =	sld [smem:$0x3FFE];
	[sflag:s24] =	ssyncadd.s32 $0xFFFFFFFF  }
0x1d: {  	s27 =	simm.s32 $execute0_lowered;
	[smem:$0x3FD2] =	sst s26  }
0x1e: {  	s5 =	sshll.u32 s27, $0x1;
	_ =	strace $0x80000049;
	[dreg:$0x1] =	wrdreg $0xFFFFFFFF  }
0x1f: {  	s28 =	simm.s32 $_size_execute0_lowered;
	s3 =	sadd.s32 s3, s5;
	[dreg:$0x0] =	wrdreg $0x0  }
0x20: {  	s5 =	sshll.u32 s28, $0x1;
	[dreg:$0x2] =	wrdreg s3  }
0x21: {  	[dreg:$0x3] =	wrdreg s5  }
0x22: {  	[dreg:$0x4] =	wrdreg $0xC0  }
0x23: {  	_ =	task [dreg:s7], $0x5FFFF  }
0x24: {  	[dreg:$0x1] =	wrdreg $0xFFFFFFFF  }
0x25: {  	[dreg:$0x0] =	wrdreg $0x60  }
0x26: {  	[dreg:$0x2] =	wrdreg s25  }
0x27: {  	[dreg:$0x3] =	wrdreg s2  }
0x28: {  	[dreg:$0x4] =	wrdreg $0x9  }
0x29: {  	_ =	task.clear_ibuf [dreg:s7], $0x5FFFF;
	_ =	strace $0x90000049  }
0x2a: {  	s29 =	simm.s32 $0x9;
	_ =	strace $0x8000004B  }
0x2b: {  	_ =	swait.ge [sflag:s29], $0x1  }
0x2c: {  	[sflag:s29] =	ssyncadd.s32 $0xFFFFFFFF  }
0x2d: {  	_ =	strace $0x9000004B  }
0x2e: {  	_ =	sfence  }
0x2f: {  	s30 =	sld [smem:$0x0];
	_ =	sdelay $0x2  }
0x30: {  	s31 =	sshll.u32 s1, $0xD;
	s1 =	sshrl.u32 s1, $0x2  }
0x31: {  	s3 =	sand.u32 $0x4000, s31;
	s1 =	sadd.s32 s1, s30  }
0x32: {  	s0 =	sor.u32 s3, s0;
	s1 =	sshll.u32 s1, $0x11  }
0x33: {  	s0 =	sor.u32 s1, s0  }
0x34: {  	s0 =	sadd.s32 $0x8F2B, s0  }
0x35: {  	[sflag:s0] =	ssyncadd.remote.s32 $0x1  }
0x36: {  	_ =	sfence.sel $0xFFFF  }
0x37: {  	[dreg:$0x0] =	wrdreg $0xFFFFFFFF;
	(pc) =	sbr.abs _section_cstart, $3  }
0x38: {  	[dreg:$0x1] =	wrdreg $0xFFFFFFFF  }
0x39: {  	_ =	task.clear_ibuf [dreg:s7], $0x2FFFF;
	_ =	strace $0x9FFFFFFF  }
0x3a: {  	(tm) =	ssettm $0x7FFFFFFF  }
0x3b: {  	_ =	shalt  }
tec
execute0_lowered:
.L_overlay_start_1:
0x0: {  	(tag) =	ssettag $0x1  }
0x1: {  	s0 =	srdreg.scid  }
0x2: {  	s1 =	sshll.u32 s0, $0x4  }
0x3: {  	s0 =	stileid.u32;
	s1 =	sand.u32 $0x10, s1  }
0x4: {  	s1 =	sor.u32 s0, s1  }
0x5: {  	s6 =	rddreg [dreg:$0x0];
	s4 =	simm.s32 $0x1;
	s2 =	sshll.u32 s1, $0x7  }
0x6: {  	s7 =	simm.s32 $0x2;
	s12 =	simm.s32 $0x0;
	s1 =	ssub.s32 $0x1000, s2  }
0x7: {  	s8 =	simm.s32 $0x8000;
	s13 =	simm.s32 $0x0;
	s3 =	sand.u32 $0xF80, s1  }
0x8: {  	s9 =	simm.s32 $0x0;
	s5 =	sshrl.u32 s1, $0xC;
	p0 =	sne.s32 s3, $0x0  }
.Ltmp0:
0x9: {  	s1 =	rddreg [dreg:$0x2];
	s4 =	simm.s32 @!p0 $0x0;
	(pc) =	sbr.rel .LBB1_1-.Ltmp0, $4  }
0xa: {  	s11 =	simm.s32 $0x0;
	s3 =	rddreg [dreg:$0x1];
	s5 =	sadd.s32 s4, s5  }
0xb: {  	_ =	strace $0x8000004A;
	s4 =	simm.s32 $0x1;
	s5 =	smul.u32 $0xC8, s5  }
0xc: {  	s6 =	sadd.s32 $0x800, s6;
	s10 =	smov.u32 s2;
	[sflag:s4] =	ssyncpa.u1 $0x0  }
0xd: {  	p0 =	por $0x0, $0x0;
	[sflag:s7] =	ssyncpa.u1 $0x0;
	s7 =	sor.u32 $0x1, s5  }
.LBB1_4:
0xe: {  	s16 =	sshll.u32 s13, $0x3;
	s17 =	sand.u32 $0x78, s13  }
0xf: {  	s30 =	sand.u32 $0x7E00, s13;
	s12 =	sshll.u32 s12, $0xF;
	s16 =	sand.u32 $0xC00, s16  }
0x10: {  	[tilespmem:s15+$0x810 ss:$0x81] =	vst.msk $0xffff, v2;
	s31 =	sand.u32 $0x7, s13;
	s16 =	sor.u32 s17, s16;
	s17 =	sadd.s32 s3, s30  }
0x11: {  	[tilespmem:s15+$0x1020 ss:$0x81] =	vst.msk $0xffff, v0;
	s13 =	sshll.u32 s31, $0x12;
	s12 =	sadd.s32 s12, s17;
	s16 =	sshrl.u32 s16, $0x3  }
0x12: {  	[tilespmem:s15+$0x0 ss:$0x81] =	vst.msk $0xffff, v1;
	s13 =	sor.u32 $0x400, s13;
	s12 =	sadd.s32 s16, s12  }
0x13: {  	[hbm4b:s12+s13] =	stream.strided.scatter [tilespmem:s14], [sflag:$0x2], $0x2000, s8, s13, $0x20;
	[tilespmem:$0x8080] =	vst v63  }
.LBB1_5:
0x14: {  	s14 =	sadd.s32 $0x1, s9  }
0x15: {  	s12 =	sadd.s32 $0x1000, s10;
	s16 =	smov.u32 s10;
	p2 =	sgt.s32 s14, $0xC7  }
0x16: {  	s16 =	smov.u32 @p2 s12  }
0x17: {  	s14 =	simm.s32 @p2 $0x0;
	p2 =	sgt.s32 s16, $0xFFF  }
0x18: {  	s16 =	smov.u32 @p2 s2;
	p2 =	sne.s32 s11, s7  }
.Ltmp1:
0x19: {  	p1 =	slt.u32 s11, $0x2;
	(pc) =	sbr.rel @!p2 .LBB1_6-.Ltmp1, $4  }
0x1a: {  	s15 =	simm.s32 @!p1 $0x2  }
0x1b: {  	s13 =	smov.u32 s10;
	p0 =	por !p0, !p0;
	_ =	swait.ge @!p1 [sflag:s15], $0x2000  }
0x1c: {  	s12 =	smov.u32 s9;
	[sflag:s15] =	ssyncset.done @!p1 $0x0;
	s9 =	smov.u32 s14  }
0x1d: {  	s11 =	sadd.s32 $0x1, s11;
	[sflag:s15] =	ssyncadd.s32 @!p1 $0xFFFFE000;
	s10 =	smov.u32 s16  }
.LBB1_1:
0x1e: {  	p1 =	sge.u32 s11, s5  }
0x1f: {  	s14 =	sand.u32 @!p1 $0x1FFFFFF, s9  }
0x20: {  	s15 =	smulhi.u32 @!p1 $0x147AE15, s14;
	_ =	sdelay $0x1  }
0x21: {  	s15 =	smul.u32 @!p1 $0xC8, s15  }
0x22: {  	s16 =	sxor.u32 @!p1 $0xFFFFFFFF, s11;
	s17 =	smul.u32 @!p1 $0xC80, s10  }
0x23: {  	s31 =	sadd.s32 $0xFFFFFFFF, s11;
	s16 =	sshll.u32 @!p1 s16, $0xD;
	s14 =	ssub.s32 @!p1 s14, s15  }
0x24: {  	s15 =	sand.u32 @!p1 $0x2000, s16;
	s16 =	sadd.s32 @!p1 s6, s17;
	s14 =	sshll.u32 @!p1 s14, $0x4  }
0x25: {  	s17 =	simm.s32 @!p1 $0x6400;
	s14 =	sadd.s32 @!p1 s14, s16;
	s16 =	simm.s32 @!p1 $0x40  }
0x26: {  	[tilespmem:s15], [sflag:$0x1] =	stream.strided.gather @!p1 [hbm4b:s14+s16], $0x2000, s17, s16, $0x38;
	[tilespmem:$0x8080] =	vst v63  }
0x27: {  	p1 =	sge.u32 s31, s5  }
.Ltmp2:
0x28: {  	_ = 	snop;
	(pc) =	sbr.rel @p1 .LBB1_5-.Ltmp2, $1  }
0x29: {  	_ =	sdelay $0x3  }
0x2a: {  	s14 =	simm.s32 $0x1  }
0x2b: {  	_ =	swait.ge [sflag:s4], $0x2000;
	s14 =	simm.s32 @!p0 $0x0  }
0x2c: {  	[sflag:s4] =	ssyncset.done $0x0;
	s15 =	sshll.u32 s14, $0xD  }
0x2d: {  	[sflag:s4] =	ssyncadd.s32 $0xFFFFE000;
	s18 =	sor.u32 $0x20, s15  }
0x2e: {  	s14 =	smul.u32 $0x8100, s14;
	v3 =	vld [tilespmem:s18+$0x10]  }
0x2f: {  	s30 =	sand.u32 $0x1, s11;
	v2 =	vld [tilespmem:s18+$0xFFFFFFF0]  }
0x30: {  	s15 =	smul.u32 $0x8100, s30;
	s14 =	sshrl.u32 s14, $0x2;
	v0 =	vld [tilespmem:s18+$0x0]  }
0x31: {  	v1 =	vld [tilespmem:s18+$0xFFFFFFE0];
	s16 =	sor.u32 $0x4000, s14  }
0x32: {  	s31 =	sshrl.u32 s15, $0x2;
	s15 =	sadd.s32 $0x0, s16  }
0x33: {  	s17 =	simm.s32 $0x4;
	s18 =	sadd.s32 $0x40, s18;
	s14 =	sor.u32 $0x4000, s31;
	[tilespmem:s15+$0x1830 ss:$0x81] =	vst.msk $0xffff, v3  }
.LBB1_3:
0x34: {  	v3 =	vld [tilespmem:s18+$0x10];
	p1 =	sne.s32 s17, $0x1FC;
	[tilespmem:s15+$0x810 ss:$0x81] =	vst.msk $0xffff, v2;
	s19 =	smov.u32 s17;
	s17 =	sadd.s32 $0x4, s17  }
.Ltmp3:
0x35: {  	v2 =	vld [tilespmem:s18+$0xFFFFFFF0];
	[tilespmem:s15+$0x1020 ss:$0x81] =	vst.msk $0xffff, v0;
	(pc) =	sbr.rel @p1 .LBB1_3-.Ltmp3, $4  }
0x36: {  	v0 =	vld [tilespmem:s18+$0x0];
	[tilespmem:s15+$0x0 ss:$0x81] =	vst.msk $0xffff, v1  }
0x37: {  	s15 =	sshra.s32 s19, $0x2;
	v1 =	vld [tilespmem:s18+$0xFFFFFFE0]  }
0x38: {  	s15 =	sadd.s32 s15, s16  }
0x39: {  	s18 =	sadd.s32 $0x40, s18;
	[tilespmem:s15+$0x1830 ss:$0x81] =	vst.msk $0xffff, v3  }
.Ltmp4:
0x3a: {  	_ = 	snop;
	(pc) =	sbr.rel .LBB1_4-.Ltmp4, $1  }
0x3b: {  	_ =	sdelay $0x3  }
.LBB1_6:
0x3c: {  	_ =	sfence.sel $0x180000  }
0x3d: {  	s2 =	simm.s32 $0x1;
	[bflag:$0x0] =	sbarrier.arrive $0xFFFF  }
0x3e: {  	s31 =	simm.s32 $0x2;
	[sflag:s2] =	ssyncpa.u1 $0x1  }
0x3f: {  	[sflag:s31] =	ssyncpa.u1 $0x1  }
0x40: {  	p0 =	sne.s32 s0, $0x0;
	_ =	strace $0x9000004A  }
0x41: {  	s0 =	sadd.s32 @!p0 $0x100000, s1;
	[bflag:$0x2] =	sbarrier.arrive $0xFFFF  }
0x42: {  	[sflag:s0] =	ssyncadd.tile.s32 @!p0 $0x1;
	_ =	shalt  }
.Lfunc_end1:
_tile_overlayer_lowered:
.L_overlay_start_2:
0x43: {  	(tag) =	ssettag $0x2  }
0x44: {  	s0 =	rddreg [dreg:$0x0];
	s2 =	stileid.u32  }
0x45: {  	s1 =	rddreg [dreg:$0x1];
	p0 =	sne.s32 s2, $0x0  }
0x46: {  	s3 =	rddreg [dreg:$0x2];
	[bflag:$0x3] =	sbarrier.arrive $0xFFFF;
	s2 =	simm.s32 @!p0 $0x1C01  }
0x47: {  	[timem:s3], [sflag:s2] =	dma.local @!p0 [hbm:s0], s1  }
0x48: {  	s0 =	simm.s32 @!p0 $0x1  }
0x49: {  	_ =	swait.ge @!p0 [sflag:s0], s1  }
0x4a: {  	s1 =	ssub.s32 @!p0 $0x0, s1;
	[sflag:s0] =	ssyncset.done @!p0 $0x0  }
0x4b: {  	[sflag:s0] =	ssyncadd.s32 @!p0 s1  }
0x4c: {  	[bflag:$0x3] =	sbarrier.arrive $0xFFFF  }
0x4d: {  	_ =	shalt  }

</sc_bundles>
